<compile_context>
chip_gen: v7x
topology: tpu7x:2x2x1
jax: 0.10.2.dev20260603
libtpu: 0.0.44.dev20260713+nightly
codegen_flags: <defaults>
</compile_context>

<pallas_src>
import functools

import jax
import jax.numpy as jnp
from jax import lax
from jax.experimental import pallas as pl
from jax.experimental.pallas import tpu as pltpu
from jax.experimental.pallas import tpu_sc as plsc

K = 8192
D = 256
N = 65536
TN = 512
PARTS = 4
NP = N // PARTS

NC = 2
NS = 16
NW = NC * NS
RCH = 128


CP = 2816
KP = 3 * CP


def _argmax_body(xt_ref, et_ref, xn_ref, en_ref, idx_ref):
    xt = xt_ref[...]
    m2 = jnp.dot(xt, et_ref[...], preferred_element_type=jnp.float32)
    u = (xn_ref[...].reshape(TN, 1) - m2) + en_ref[...]
    ks = lax.broadcasted_iota(jnp.int32, (1, CP), 1)
    big = jnp.int32(2 ** 30)

    def cmin(lo, hi):
        dm = u[:, lo:hi]
        v = jnp.min(dm, axis=1)
        i = jnp.min(jnp.where(dm == v[:, None], ks, big), axis=1)
        return v, i

    v0, i0 = cmin(0, CP)
    v1, i1 = cmin(CP, 2 * CP)
    v2, i2 = cmin(2 * CP, KP)
    accf = v0.astype(jnp.bfloat16).astype(jnp.float32)
    win1 = v1 < accf
    acc_i = jnp.where(win1, i1 + 2736, i0)
    accf = jnp.where(win1, v1, accf).astype(jnp.bfloat16).astype(jnp.float32)
    win2 = v2 < accf
    idx_ref[...] = jnp.where(win2, i2 + 5472, acc_i).astype(jnp.int32)


def _make_argmax(part):
    off = part * (NP // TN)
    return pl.pallas_call(
        _argmax_body,
        grid=(NP // TN,),
        in_specs=[pl.BlockSpec((TN, D), lambda i: (i + off, 0)),
                  pl.BlockSpec((D, KP), lambda i: (0, 0)),
                  pl.BlockSpec((TN,), lambda i: (i + off,)),
                  pl.BlockSpec((1, KP), lambda i: (0, 0))],
        out_specs=pl.BlockSpec((TN,), lambda i: (i,)),
        out_shape=jax.ShapeDtypeStruct((NP,), jnp.int32),
    )


_argmax_calls = [_make_argmax(p) for p in range(PARTS)]

BW = NP // NW
NCH = BW // RCH


def _sc_gather_hist(idx_hbm, embed_hbm, quant_hbm, hist_hbm,
                    idxv, buf, histv, sem):
    cid = lax.axis_index("c")
    sid = lax.axis_index("s")
    wid = sid * NC + cid

    pltpu.sync_copy(idx_hbm.at[pl.ds(wid * NCH, NCH)], idxv)

    def _zero(i, _):
        histv[pl.ds(i * 16, 16)] = jnp.zeros((16,), jnp.int32)
        return 0
    lax.fori_loop(0, K // 16, _zero, 0)

    ones = jnp.ones((16,), jnp.int32)

    def _chunk(c, _):
        pltpu.async_copy(embed_hbm.at[idxv.at[c]], buf, sem).wait()
        pltpu.sync_copy(buf, quant_hbm.at[pl.ds(wid * BW + c * RCH, RCH)])

        def _grp(g, _2):
            iv = idxv[c, pl.ds(g * 16, 16)]
            plsc.addupdate_scatter(histv, [iv], ones)
            return 0
        lax.fori_loop(0, RCH // 16, _grp, 0)
        return 0
    lax.fori_loop(0, NCH, _chunk, 0)

    pltpu.sync_copy(histv, hist_hbm.at[wid])


_sc_call = functools.partial(
    pl.kernel,
    mesh=plsc.VectorSubcoreMesh(core_axis_name="c", subcore_axis_name="s"),
    out_type=[jax.ShapeDtypeStruct((NP, D), jnp.float32),
              jax.ShapeDtypeStruct((NW, K), jnp.int32)],
    scratch_types=[pltpu.VMEM((NCH, RCH), jnp.int32),
                   pltpu.VMEM((RCH, D), jnp.float32),
                   pltpu.VMEM((K,), jnp.int32),
                   pltpu.SemaphoreType.DMA],
    compiler_params=pltpu.CompilerParams(needs_layout_passes=False),
)(_sc_gather_hist)


def _perp_body(h_ref, out_ref):
    counts = jnp.sum(h_ref[...].astype(jnp.float32), axis=0, keepdims=True)
    prob = counts * (1.0 / N)
    ent = jnp.sum(prob * jnp.log(prob + 1e-10), axis=1, keepdims=True)
    out_ref[...] = jnp.exp(-ent)


_perp_call = pl.pallas_call(
    _perp_body,
    in_specs=[pl.BlockSpec((PARTS * NW, K), lambda: (0, 0))],
    out_specs=pl.BlockSpec((1, 1), lambda: (0, 0)),
    out_shape=jax.ShapeDtypeStruct((1, 1), jnp.float32),
)


def kernel(x, embed):
    xf = x.reshape(N, D)
    et = embed.T
    xn = jnp.sum(xf ** 2, axis=1, keepdims=True).reshape(N)
    en = jnp.sum(et ** 2, axis=0, keepdims=True)
    z = jnp.zeros((D, CP - 2736), jnp.float32)
    z2 = jnp.zeros((D, CP - 2720), jnp.float32)
    etp = jnp.concatenate([et[:, :2736], z, et[:, 2736:5472], z, et[:, 5472:], z2], axis=1)
    inf = jnp.full((1, CP - 2736), jnp.inf, jnp.float32)
    inf2 = jnp.full((1, CP - 2720), jnp.inf, jnp.float32)
    enp = jnp.concatenate([en[:, :2736], inf, en[:, 2736:5472], inf, en[:, 5472:], inf2], axis=1)
    etp = etp + etp
    quants, hists = [], []
    for p in range(PARTS):
        idx = _argmax_calls[p](xf, etp, xn, enp)
        q, h = _sc_call(idx.reshape(NP // RCH, RCH), embed)
        quants.append(q)
        hists.append(h)
    perp = _perp_call(jnp.concatenate(hists, axis=0))
    quant = jnp.concatenate(quants, axis=0)
    return quant.reshape(x.shape), perp.reshape(())

# --- scband reference (transcript-rebuilt; emitter-appended) ---
"""Pipeline reference for scband-kmeans-ema-5592047419507 (READ-ONLY COPY).

The authoritative reference and input builder live on the scoring server;
editing this copy changes nothing except your own understanding.
"""

import jax, jax.numpy as jnp
import numpy as np

CODEBOOK_SIZE = 8192
CODE_DIM = 256

def setup_inputs(seed: int = 0) -> dict:
    key = jax.random.key(seed)
    k1, k2 = jax.random.split(key)
    x = jax.random.normal(k1, (64, 1024, CODE_DIM), dtype=jnp.float32)
    # learned/buffer codebook (kmeans_init=False -> randn init, initted=True)
    embed = jax.random.normal(k2, (CODEBOOK_SIZE, CODE_DIM), dtype=jnp.float32)
    return {"x": x, "embed": embed}

def reference(x, embed):
    shape = x.shape
    flatten = x.reshape(-1, shape[-1])
    et = embed.T  # [d, K]
    # dist = -(||x||^2 - 2 x e^T + ||e||^2)
    dist = -(jnp.sum(flatten ** 2, axis=1, keepdims=True)
             - 2.0 * (flatten @ et)
             + jnp.sum(et ** 2, axis=0, keepdims=True))
    embed_ind_flat = jnp.argmax(dist, axis=-1)
    embed_ind = embed_ind_flat.reshape(shape[:-1])
    quantize = jnp.take(embed, embed_ind, axis=0)
    # codebook perplexity
    prob = jnp.bincount(embed_ind_flat, length=CODEBOOK_SIZE).astype(jnp.float32) / embed_ind_flat.shape[0]
    perp = jnp.exp(-jnp.sum(prob * jnp.log(prob + 1e-10)))
    # codebook_loss is None in the torch module; return quantize and perplexity
    return (quantize, perp)

if __name__ == "__main__":
    import jax
    _d = setup_inputs()
    print(jax.jit(kernel)(*tuple(_d.values())))

</pallas_src>

<mosaic_0001>
#map = affine_map<(d0, d1) -> (0, 0)>
module attributes {stable_mosaic.version = 14 : i64} {
  func.func @_sc_gather_hist(%arg0: i32, %arg1: i32, %arg2: memref<128x128xi32, #tpu.memory_space<hbm>>, %arg3: memref<8192x256xf32, #tpu.memory_space<hbm>>, %arg4: memref<16384x256xf32, #tpu.memory_space<hbm>>, %arg5: memref<32x8192xi32, #tpu.memory_space<hbm>>, %arg6: memref<4x128xi32, #tpu.memory_space<vmem>>, %arg7: memref<128x256xf32, #tpu.memory_space<vmem>>, %arg8: memref<8192xi32, #tpu.memory_space<vmem>>, %arg9: memref<!tpu.dma_semaphore, #tpu.memory_space<semaphore_mem>>) attributes {dimension_semantics = [#tpu.dimension_semantics<core_parallel>, #tpu.dimension_semantics<subcore_parallel>], iteration_bounds = array<i64: 2, 16>, scalar_prefetch = 0 : i64, scratch_operands = 4 : i64, tpu.core_type = #tpu.core_type<sc_vector_subcore>, window_params = [{transform_indices = #map}, {transform_indices = #map}, {transform_indices = #map}, {transform_indices = #map}]} {
    %mul3A = arith.constant 2 : i32
    %mul3A_0 = arith.muli %arg1, %mul3A : i32
    %add3A = arith.addi %mul3A_0, %arg0 : i32
    %mul3A_1 = arith.constant 4 : i32
    %mul3A_2 = arith.muli %add3A, %mul3A_1 : i32
    "tpu.region"() ({
      %run_scoped3A = tpu.sem_alloc : memref<!tpu.dma_semaphore, #tpu.memory_space<semaphore_mem>>
      %dma_start3A = arith.constant 0 : i32
      %dma_start3A_17 = tpu.memref_slice %arg2[%mul3A_2, %dma_start3A] : memref<128x128xi32, #tpu.memory_space<hbm>> -> memref<4x128xi32, #tpu.memory_space<hbm>>
      %dma_start3A_18 = arith.constant 0 : i32
      %dma_start3A_19 = tpu.memref_slice %arg2[%mul3A_2, %dma_start3A_18] : memref<128x128xi32, #tpu.memory_space<hbm>> -> memref<4x128xi32, #tpu.memory_space<hbm>>
      tpu.enqueue_dma source(%dma_start3A_19 : memref<4x128xi32, #tpu.memory_space<hbm>>) target(%arg6 : memref<4x128xi32, #tpu.memory_space<vmem>>) target_semaphore(%run_scoped3A : memref<!tpu.dma_semaphore, #tpu.memory_space<semaphore_mem>>)
      %dma_wait3A = arith.constant 0 : i32
      %dma_wait3A_20 = tpu.memref_slice %arg2[%mul3A_2, %dma_wait3A] : memref<128x128xi32, #tpu.memory_space<hbm>> -> memref<4x128xi32, #tpu.memory_space<hbm>>
      %dma_wait3A_21 = arith.constant 0 : i32
      %dma_wait3A_22 = tpu.memref_slice %arg2[%mul3A_2, %dma_wait3A_21] : memref<128x128xi32, #tpu.memory_space<hbm>> -> memref<4x128xi32, #tpu.memory_space<hbm>>
      tpu.wait_dma2 semaphore(%run_scoped3A : memref<!tpu.dma_semaphore, #tpu.memory_space<semaphore_mem>>) src(%dma_wait3A_22 : memref<4x128xi32, #tpu.memory_space<hbm>>) dst(%arg6 : memref<4x128xi32, #tpu.memory_space<vmem>>)
      tpu.yield
    }) : () -> ()
    %scan3A = arith.constant 0 : i32
    %scan3A_3 = arith.constant 0 : i32
    %scan3A_4 = arith.constant 512 : i32
    %scan3A_5 = arith.addi %scan3A_3, %scan3A_4 : i32
    %scan3A_6 = arith.constant 1 : i32
    %scan3A_7 = scf.for %scan3A_17 = %scan3A_3 to %scan3A_5 step %scan3A_6 iter_args(%scan3A_18 = %scan3A) -> (i32)  : i32 {
      %broadcast_in_dim3A_19 = arith.constant 0 : i32
      %broadcast_in_dim3A_20 = vector.broadcast %broadcast_in_dim3A_19 : i32 to vector<16xi32>
      %mul3A_21 = arith.constant 16 : i32
      %mul3A_22 = arith.muli %scan3A_17, %mul3A_21 : i32
      %swap3A = arith.index_cast %mul3A_22 : i32 to index
      %swap3A_23 = tpu.vector_load %arg8[%swap3A] {strides = array<i32>} : memref<8192xi32, #tpu.memory_space<vmem>>, vector<16xi32>,
      tpu.vector_store %arg8[%swap3A], %broadcast_in_dim3A_20 {strides = array<i32>} : memref<8192xi32, #tpu.memory_space<vmem>>, vector<16xi32>,
      %scan3A_24 = arith.constant 0 : i32
      scf.yield %scan3A_24 : i32
    }
    %scan3A_8 = arith.constant 512 : i32
    %broadcast_in_dim3A = arith.constant 1 : i32
    %broadcast_in_dim3A_9 = vector.broadcast %broadcast_in_dim3A : i32 to vector<16xi32>
    %scan3A_10 = arith.constant 0 : i32
    %scan3A_11 = arith.constant 0 : i32
    %scan3A_12 = arith.constant 4 : i32
    %scan3A_13 = arith.addi %scan3A_11, %scan3A_12 : i32
    %scan3A_14 = arith.constant 1 : i32
    %scan3A_15 = scf.for %scan3A_17 = %scan3A_11 to %scan3A_13 step %scan3A_14 iter_args(%scan3A_18 = %scan3A_10) -> (i32)  : i32 {
      %dma_start3A = arith.constant 0 : i32
      %dma_start3A_19 = tpu.memref_slice %arg6[%scan3A_17, %dma_start3A] : memref<4x128xi32, #tpu.memory_space<vmem>> -> memref<1x128xi32, #tpu.memory_space<vmem>>
      %dma_start3A_20 = tpu.memref_squeeze %dma_start3A_19 : memref<1x128xi32, #tpu.memory_space<vmem>> -> memref<128xi32, #tpu.memory_space<vmem>>
      %dma_start3A_21 = arith.constant 0 : i32
      %dma_start3A_22 = arith.constant 0 : i32
      %dma_start3A_23 = tpu.memref_slice %arg3[%dma_start3A_21, %dma_start3A_22] : memref<8192x256xf32, #tpu.memory_space<hbm>> -> memref<8192x256xf32, #tpu.memory_space<hbm>>
      tpu.enqueue_indirect_dma source(%dma_start3A_23 : memref<8192x256xf32, #tpu.memory_space<hbm>>) target(%arg7 : memref<128x256xf32, #tpu.memory_space<vmem>>) offsets(%dma_start3A_20 : memref<128xi32, #tpu.memory_space<vmem>>) semaphore(%arg9 : memref<!tpu.dma_semaphore, #tpu.memory_space<semaphore_mem>>)
      %dma_wait3A = arith.constant 0 : i32
      %dma_wait3A_24 = tpu.memref_slice %arg6[%scan3A_17, %dma_wait3A] : memref<4x128xi32, #tpu.memory_space<vmem>> -> memref<1x128xi32, #tpu.memory_space<vmem>>
      %dma_wait3A_25 = tpu.memref_squeeze %dma_wait3A_24 : memref<1x128xi32, #tpu.memory_space<vmem>> -> memref<128xi32, #tpu.memory_space<vmem>>
      %dma_wait3A_26 = arith.constant 0 : i32
      %dma_wait3A_27 = arith.constant 0 : i32
      %dma_wait3A_28 = tpu.memref_slice %arg3[%dma_wait3A_26, %dma_wait3A_27] : memref<8192x256xf32, #tpu.memory_space<hbm>> -> memref<8192x256xf32, #tpu.memory_space<hbm>>
      tpu.wait_indirect_dma semaphore(%arg9 : memref<!tpu.dma_semaphore, #tpu.memory_space<semaphore_mem>>) src(%dma_wait3A_28 : memref<8192x256xf32, #tpu.memory_space<hbm>>) dst(%arg7 : memref<128x256xf32, #tpu.memory_space<vmem>>)
      %mul3A_29 = arith.constant 512 : i32
      %mul3A_30 = arith.muli %add3A, %mul3A_29 : i32
      %mul3A_31 = arith.constant 128 : i32
      %mul3A_32 = arith.muli %scan3A_17, %mul3A_31 : i32
      %add3A_33 = arith.addi %mul3A_30, %mul3A_32 : i32
      "tpu.region"() ({
        %run_scoped3A = tpu.sem_alloc : memref<!tpu.dma_semaphore, #tpu.memory_space<semaphore_mem>>
        %dma_start3A_42 = arith.constant 0 : i32
        %dma_start3A_43 = tpu.memref_slice %arg4[%add3A_33, %dma_start3A_42] : memref<16384x256xf32, #tpu.memory_space<hbm>> -> memref<128x256xf32, #tpu.memory_space<hbm>>
        %dma_start3A_44 = arith.constant 0 : i32
        %dma_start3A_45 = tpu.memref_slice %arg4[%add3A_33, %dma_start3A_44] : memref<16384x256xf32, #tpu.memory_space<hbm>> -> memref<128x256xf32, #tpu.memory_space<hbm>>
        tpu.enqueue_dma source(%arg7 : memref<128x256xf32, #tpu.memory_space<vmem>>) target(%dma_start3A_45 : memref<128x256xf32, #tpu.memory_space<hbm>>) target_semaphore(%run_scoped3A : memref<!tpu.dma_semaphore, #tpu.memory_space<semaphore_mem>>)
        %dma_wait3A_46 = arith.constant 0 : i32
        %dma_wait3A_47 = tpu.memref_slice %arg4[%add3A_33, %dma_wait3A_46] : memref<16384x256xf32, #tpu.memory_space<hbm>> -> memref<128x256xf32, #tpu.memory_space<hbm>>
        %dma_wait3A_48 = arith.constant 0 : i32
        %dma_wait3A_49 = tpu.memref_slice %arg4[%add3A_33, %dma_wait3A_48] : memref<16384x256xf32, #tpu.memory_space<hbm>> -> memref<128x256xf32, #tpu.memory_space<hbm>>
        tpu.wait_dma2 semaphore(%run_scoped3A : memref<!tpu.dma_semaphore, #tpu.memory_space<semaphore_mem>>) src(%arg7 : memref<128x256xf32, #tpu.memory_space<vmem>>) dst(%dma_wait3A_49 : memref<128x256xf32, #tpu.memory_space<hbm>>)
        tpu.yield
      }) : () -> ()
      %scan3A_34 = arith.constant 0 : i32
      %scan3A_35 = arith.constant 0 : i32
      %scan3A_36 = arith.constant 8 : i32
      %scan3A_37 = arith.addi %scan3A_35, %scan3A_36 : i32
      %scan3A_38 = arith.constant 1 : i32
      %scan3A_39 = scf.for %scan3A_42 = %scan3A_35 to %scan3A_37 step %scan3A_38 iter_args(%scan3A_43 = %scan3A_34) -> (i32)  : i32 {
        %mul3A_44 = arith.constant 16 : i32
        %mul3A_45 = arith.muli %scan3A_42, %mul3A_44 : i32
        %get3A = arith.index_cast %scan3A_17 : i32 to index
        %get3A_46 = arith.index_cast %mul3A_45 : i32 to index
        %get3A_47 = tpu.vector_load %arg6[%get3A, %get3A_46] {strides = array<i32>} : memref<4x128xi32, #tpu.memory_space<vmem>>, vector<16xi32>,
        tpu.vector_store_idx %arg8[%get3A_47], %broadcast_in_dim3A_9 {add = true} : memref<8192xi32, #tpu.memory_space<vmem>>[vector<16xi32>], vector<16xi32>,
        %scan3A_48 = arith.constant 0 : i32
        scf.yield %scan3A_48 : i32
      }
      %scan3A_40 = arith.constant 8 : i32
      %scan3A_41 = arith.constant 0 : i32
      scf.yield %scan3A_41 : i32
    }
    %scan3A_16 = arith.constant 4 : i32
    "tpu.region"() ({
      %run_scoped3A = tpu.sem_alloc : memref<!tpu.dma_semaphore, #tpu.memory_space<semaphore_mem>>
      %dma_start3A = arith.constant 0 : i32
      %dma_start3A_17 = tpu.memref_slice %arg5[%add3A, %dma_start3A] : memref<32x8192xi32, #tpu.memory_space<hbm>> -> memref<1x8192xi32, #tpu.memory_space<hbm>>
      %dma_start3A_18 = tpu.memref_squeeze %dma_start3A_17 : memref<1x8192xi32, #tpu.memory_space<hbm>> -> memref<8192xi32, #tpu.memory_space<hbm>>
      %dma_start3A_19 = arith.constant 0 : i32
      %dma_start3A_20 = tpu.memref_slice %arg5[%add3A, %dma_start3A_19] : memref<32x8192xi32, #tpu.memory_space<hbm>> -> memref<1x8192xi32, #tpu.memory_space<hbm>>
      %dma_start3A_21 = tpu.memref_squeeze %dma_start3A_20 : memref<1x8192xi32, #tpu.memory_space<hbm>> -> memref<8192xi32, #tpu.memory_space<hbm>>
      tpu.enqueue_dma source(%arg8 : memref<8192xi32, #tpu.memory_space<vmem>>) target(%dma_start3A_21 : memref<8192xi32, #tpu.memory_space<hbm>>) target_semaphore(%run_scoped3A : memref<!tpu.dma_semaphore, #tpu.memory_space<semaphore_mem>>)
      %dma_wait3A = arith.constant 0 : i32
      %dma_wait3A_22 = tpu.memref_slice %arg5[%add3A, %dma_wait3A] : memref<32x8192xi32, #tpu.memory_space<hbm>> -> memref<1x8192xi32, #tpu.memory_space<hbm>>
      %dma_wait3A_23 = tpu.memref_squeeze %dma_wait3A_22 : memref<1x8192xi32, #tpu.memory_space<hbm>> -> memref<8192xi32, #tpu.memory_space<hbm>>
      %dma_wait3A_24 = arith.constant 0 : i32
      %dma_wait3A_25 = tpu.memref_slice %arg5[%add3A, %dma_wait3A_24] : memref<32x8192xi32, #tpu.memory_space<hbm>> -> memref<1x8192xi32, #tpu.memory_space<hbm>>
      %dma_wait3A_26 = tpu.memref_squeeze %dma_wait3A_25 : memref<1x8192xi32, #tpu.memory_space<hbm>> -> memref<8192xi32, #tpu.memory_space<hbm>>
      tpu.wait_dma2 semaphore(%run_scoped3A : memref<!tpu.dma_semaphore, #tpu.memory_space<semaphore_mem>>) src(%arg8 : memref<8192xi32, #tpu.memory_space<vmem>>) dst(%dma_wait3A_26 : memref<8192xi32, #tpu.memory_space<hbm>>)
      tpu.yield
    }) : () -> ()
    return
  }
}

#map = affine_map<(d0, d1) -> (0, 0)>
module attributes {stable_mosaic.version = 14 : i64} {
  func.func @_sc_gather_hist(%arg0: i32, %arg1: i32, %arg2: memref<128x128xi32, #tpu.memory_space<hbm>>, %arg3: memref<8192x256xf32, #tpu.memory_space<hbm>>, %arg4: memref<16384x256xf32, #tpu.memory_space<hbm>>, %arg5: memref<32x8192xi32, #tpu.memory_space<hbm>>, %arg6: memref<4x128xi32, #tpu.memory_space<vmem>>, %arg7: memref<128x256xf32, #tpu.memory_space<vmem>>, %arg8: memref<8192xi32, #tpu.memory_space<vmem>>, %arg9: memref<!tpu.dma_semaphore, #tpu.memory_space<semaphore_mem>>) attributes {dimension_semantics = [#tpu.dimension_semantics<core_parallel>, #tpu.dimension_semantics<subcore_parallel>], iteration_bounds = array<i64: 2, 16>, scalar_prefetch = 0 : i64, scratch_operands = 4 : i64, tpu.core_type = #tpu.core_type<sc_vector_subcore>, window_params = [{transform_indices = #map}, {transform_indices = #map}, {transform_indices = #map}, {transform_indices = #map}]} {
    %mul3A = arith.constant 2 : i32
    %mul3A_0 = arith.muli %arg1, %mul3A : i32
    %add3A = arith.addi %mul3A_0, %arg0 : i32
    %mul3A_1 = arith.constant 4 : i32
    %mul3A_2 = arith.muli %add3A, %mul3A_1 : i32
    "tpu.region"() ({
      %run_scoped3A = tpu.sem_alloc : memref<!tpu.dma_semaphore, #tpu.memory_space<semaphore_mem>>
      %dma_start3A = arith.constant 0 : i32
      %dma_start3A_17 = tpu.memref_slice %arg2[%mul3A_2, %dma_start3A] : memref<128x128xi32, #tpu.memory_space<hbm>> -> memref<4x128xi32, #tpu.memory_space<hbm>>
      %dma_start3A_18 = arith.constant 0 : i32
      %dma_start3A_19 = tpu.memref_slice %arg2[%mul3A_2, %dma_start3A_18] : memref<128x128xi32, #tpu.memory_space<hbm>> -> memref<4x128xi32, #tpu.memory_space<hbm>>
      tpu.enqueue_dma source(%dma_start3A_19 : memref<4x128xi32, #tpu.memory_space<hbm>>) target(%arg6 : memref<4x128xi32, #tpu.memory_space<vmem>>) target_semaphore(%run_scoped3A : memref<!tpu.dma_semaphore, #tpu.memory_space<semaphore_mem>>)
      %dma_wait3A = arith.constant 0 : i32
      %dma_wait3A_20 = tpu.memref_slice %arg2[%mul3A_2, %dma_wait3A] : memref<128x128xi32, #tpu.memory_space<hbm>> -> memref<4x128xi32, #tpu.memory_space<hbm>>
      %dma_wait3A_21 = arith.constant 0 : i32
      %dma_wait3A_22 = tpu.memref_slice %arg2[%mul3A_2, %dma_wait3A_21] : memref<128x128xi32, #tpu.memory_space<hbm>> -> memref<4x128xi32, #tpu.memory_space<hbm>>
      tpu.wait_dma2 semaphore(%run_scoped3A : memref<!tpu.dma_semaphore, #tpu.memory_space<semaphore_mem>>) src(%dma_wait3A_22 : memref<4x128xi32, #tpu.memory_space<hbm>>) dst(%arg6 : memref<4x128xi32, #tpu.memory_space<vmem>>)
      tpu.yield
    }) : () -> ()
    %scan3A = arith.constant 0 : i32
    %scan3A_3 = arith.constant 0 : i32
    %scan3A_4 = arith.constant 512 : i32
    %scan3A_5 = arith.addi %scan3A_3, %scan3A_4 : i32
    %scan3A_6 = arith.constant 1 : i32
    %scan3A_7 = scf.for %scan3A_17 = %scan3A_3 to %scan3A_5 step %scan3A_6 iter_args(%scan3A_18 = %scan3A) -> (i32)  : i32 {
      %broadcast_in_dim3A_19 = arith.constant 0 : i32
      %broadcast_in_dim3A_20 = vector.broadcast %broadcast_in_dim3A_19 : i32 to vector<16xi32>
      %mul3A_21 = arith.constant 16 : i32
      %mul3A_22 = arith.muli %scan3A_17, %mul3A_21 : i32
      %swap3A = arith.index_cast %mul3A_22 : i32 to index
      %swap3A_23 = tpu.vector_load %arg8[%swap3A] {strides = array<i32>} : memref<8192xi32, #tpu.memory_space<vmem>>, vector<16xi32>,
      tpu.vector_store %arg8[%swap3A], %broadcast_in_dim3A_20 {strides = array<i32>} : memref<8192xi32, #tpu.memory_space<vmem>>, vector<16xi32>,
      %scan3A_24 = arith.constant 0 : i32
      scf.yield %scan3A_24 : i32
    }
    %scan3A_8 = arith.constant 512 : i32
    %broadcast_in_dim3A = arith.constant 1 : i32
    %broadcast_in_dim3A_9 = vector.broadcast %broadcast_in_dim3A : i32 to vector<16xi32>
    %scan3A_10 = arith.constant 0 : i32
    %scan3A_11 = arith.constant 0 : i32
    %scan3A_12 = arith.constant 4 : i32
    %scan3A_13 = arith.addi %scan3A_11, %scan3A_12 : i32
    %scan3A_14 = arith.constant 1 : i32
    %scan3A_15 = scf.for %scan3A_17 = %scan3A_11 to %scan3A_13 step %scan3A_14 iter_args(%scan3A_18 = %scan3A_10) -> (i32)  : i32 {
      %dma_start3A = arith.constant 0 : i32
      %dma_start3A_19 = tpu.memref_slice %arg6[%scan3A_17, %dma_start3A] : memref<4x128xi32, #tpu.memory_space<vmem>> -> memref<1x128xi32, #tpu.memory_space<vmem>>
      %dma_start3A_20 = tpu.memref_squeeze %dma_start3A_19 : memref<1x128xi32, #tpu.memory_space<vmem>> -> memref<128xi32, #tpu.memory_space<vmem>>
      %dma_start3A_21 = arith.constant 0 : i32
      %dma_start3A_22 = arith.constant 0 : i32
      %dma_start3A_23 = tpu.memref_slice %arg3[%dma_start3A_21, %dma_start3A_22] : memref<8192x256xf32, #tpu.memory_space<hbm>> -> memref<8192x256xf32, #tpu.memory_space<hbm>>
      tpu.enqueue_indirect_dma source(%dma_start3A_23 : memref<8192x256xf32, #tpu.memory_space<hbm>>) target(%arg7 : memref<128x256xf32, #tpu.memory_space<vmem>>) offsets(%dma_start3A_20 : memref<128xi32, #tpu.memory_space<vmem>>) semaphore(%arg9 : memref<!tpu.dma_semaphore, #tpu.memory_space<semaphore_mem>>)
      %dma_wait3A = arith.constant 0 : i32
      %dma_wait3A_24 = tpu.memref_slice %arg6[%scan3A_17, %dma_wait3A] : memref<4x128xi32, #tpu.memory_space<vmem>> -> memref<1x128xi32, #tpu.memory_space<vmem>>
      %dma_wait3A_25 = tpu.memref_squeeze %dma_wait3A_24 : memref<1x128xi32, #tpu.memory_space<vmem>> -> memref<128xi32, #tpu.memory_space<vmem>>
      %dma_wait3A_26 = arith.constant 0 : i32
      %dma_wait3A_27 = arith.constant 0 : i32
      %dma_wait3A_28 = tpu.memref_slice %arg3[%dma_wait3A_26, %dma_wait3A_27] : memref<8192x256xf32, #tpu.memory_space<hbm>> -> memref<8192x256xf32, #tpu.memory_space<hbm>>
      tpu.wait_indirect_dma semaphore(%arg9 : memref<!tpu.dma_semaphore, #tpu.memory_space<semaphore_mem>>) src(%dma_wait3A_28 : memref<8192x256xf32, #tpu.memory_space<hbm>>) dst(%arg7 : memref<128x256xf32, #tpu.memory_space<vmem>>)
      %mul3A_29 = arith.constant 512 : i32
      %mul3A_30 = arith.muli %add3A, %mul3A_29 : i32
      %mul3A_31 = arith.constant 128 : i32
      %mul3A_32 = arith.muli %scan3A_17, %mul3A_31 : i32
      %add3A_33 = arith.addi %mul3A_30, %mul3A_32 : i32
      "tpu.region"() ({
        %run_scoped3A = tpu.sem_alloc : memref<!tpu.dma_semaphore, #tpu.memory_space<semaphore_mem>>
        %dma_start3A_42 = arith.constant 0 : i32
        %dma_start3A_43 = tpu.memref_slice %arg4[%add3A_33, %dma_start3A_42] : memref<16384x256xf32, #tpu.memory_space<hbm>> -> memref<128x256xf32, #tpu.memory_space<hbm>>
        %dma_start3A_44 = arith.constant 0 : i32
        %dma_start3A_45 = tpu.memref_slice %arg4[%add3A_33, %dma_start3A_44] : memref<16384x256xf32, #tpu.memory_space<hbm>> -> memref<128x256xf32, #tpu.memory_space<hbm>>
        tpu.enqueue_dma source(%arg7 : memref<128x256xf32, #tpu.memory_space<vmem>>) target(%dma_start3A_45 : memref<128x256xf32, #tpu.memory_space<hbm>>) target_semaphore(%run_scoped3A : memref<!tpu.dma_semaphore, #tpu.memory_space<semaphore_mem>>)
        %dma_wait3A_46 = arith.constant 0 : i32
        %dma_wait3A_47 = tpu.memref_slice %arg4[%add3A_33, %dma_wait3A_46] : memref<16384x256xf32, #tpu.memory_space<hbm>> -> memref<128x256xf32, #tpu.memory_space<hbm>>
        %dma_wait3A_48 = arith.constant 0 : i32
        %dma_wait3A_49 = tpu.memref_slice %arg4[%add3A_33, %dma_wait3A_48] : memref<16384x256xf32, #tpu.memory_space<hbm>> -> memref<128x256xf32, #tpu.memory_space<hbm>>
        tpu.wait_dma2 semaphore(%run_scoped3A : memref<!tpu.dma_semaphore, #tpu.memory_space<semaphore_mem>>) src(%arg7 : memref<128x256xf32, #tpu.memory_space<vmem>>) dst(%dma_wait3A_49 : memref<128x256xf32, #tpu.memory_space<hbm>>)
        tpu.yield
      }) : () -> ()
      %scan3A_34 = arith.constant 0 : i32
      %scan3A_35 = arith.constant 0 : i32
      %scan3A_36 = arith.constant 8 : i32
      %scan3A_37 = arith.addi %scan3A_35, %scan3A_36 : i32
      %scan3A_38 = arith.constant 1 : i32
      %scan3A_39 = scf.for %scan3A_42 = %scan3A_35 to %scan3A_37 step %scan3A_38 iter_args(%scan3A_43 = %scan3A_34) -> (i32)  : i32 {
        %mul3A_44 = arith.constant 16 : i32
        %mul3A_45 = arith.muli %scan3A_42, %mul3A_44 : i32
        %get3A = arith.index_cast %scan3A_17 : i32 to index
        %get3A_46 = arith.index_cast %mul3A_45 : i32 to index
        %get3A_47 = tpu.vector_load %arg6[%get3A, %get3A_46] {strides = array<i32>} : memref<4x128xi32, #tpu.memory_space<vmem>>, vector<16xi32>,
        tpu.vector_store_idx %arg8[%get3A_47], %broadcast_in_dim3A_9 {add = true} : memref<8192xi32, #tpu.memory_space<vmem>>[vector<16xi32>], vector<16xi32>,
        %scan3A_48 = arith.constant 0 : i32
        scf.yield %scan3A_48 : i32
      }
      %scan3A_40 = arith.constant 8 : i32
      %scan3A_41 = arith.constant 0 : i32
      scf.yield %scan3A_41 : i32
    }
    %scan3A_16 = arith.constant 4 : i32
    "tpu.region"() ({
      %run_scoped3A = tpu.sem_alloc : memref<!tpu.dma_semaphore, #tpu.memory_space<semaphore_mem>>
      %dma_start3A = arith.constant 0 : i32
      %dma_start3A_17 = tpu.memref_slice %arg5[%add3A, %dma_start3A] : memref<32x8192xi32, #tpu.memory_space<hbm>> -> memref<1x8192xi32, #tpu.memory_space<hbm>>
      %dma_start3A_18 = tpu.memref_squeeze %dma_start3A_17 : memref<1x8192xi32, #tpu.memory_space<hbm>> -> memref<8192xi32, #tpu.memory_space<hbm>>
      %dma_start3A_19 = arith.constant 0 : i32
      %dma_start3A_20 = tpu.memref_slice %arg5[%add3A, %dma_start3A_19] : memref<32x8192xi32, #tpu.memory_space<hbm>> -> memref<1x8192xi32, #tpu.memory_space<hbm>>
      %dma_start3A_21 = tpu.memref_squeeze %dma_start3A_20 : memref<1x8192xi32, #tpu.memory_space<hbm>> -> memref<8192xi32, #tpu.memory_space<hbm>>
      tpu.enqueue_dma source(%arg8 : memref<8192xi32, #tpu.memory_space<vmem>>) target(%dma_start3A_21 : memref<8192xi32, #tpu.memory_space<hbm>>) target_semaphore(%run_scoped3A : memref<!tpu.dma_semaphore, #tpu.memory_space<semaphore_mem>>)
      %dma_wait3A = arith.constant 0 : i32
      %dma_wait3A_22 = tpu.memref_slice %arg5[%add3A, %dma_wait3A] : memref<32x8192xi32, #tpu.memory_space<hbm>> -> memref<1x8192xi32, #tpu.memory_space<hbm>>
      %dma_wait3A_23 = tpu.memref_squeeze %dma_wait3A_22 : memref<1x8192xi32, #tpu.memory_space<hbm>> -> memref<8192xi32, #tpu.memory_space<hbm>>
      %dma_wait3A_24 = arith.constant 0 : i32
      %dma_wait3A_25 = tpu.memref_slice %arg5[%add3A, %dma_wait3A_24] : memref<32x8192xi32, #tpu.memory_space<hbm>> -> memref<1x8192xi32, #tpu.memory_space<hbm>>
      %dma_wait3A_26 = tpu.memref_squeeze %dma_wait3A_25 : memref<1x8192xi32, #tpu.memory_space<hbm>> -> memref<8192xi32, #tpu.memory_space<hbm>>
      tpu.wait_dma2 semaphore(%run_scoped3A : memref<!tpu.dma_semaphore, #tpu.memory_space<semaphore_mem>>) src(%arg8 : memref<8192xi32, #tpu.memory_space<vmem>>) dst(%dma_wait3A_26 : memref<8192xi32, #tpu.memory_space<hbm>>)
      tpu.yield
    }) : () -> ()
    return
  }
}

#map = affine_map<(d0, d1) -> (0, 0)>
module attributes {stable_mosaic.version = 14 : i64} {
  func.func @_sc_gather_hist(%arg0: i32, %arg1: i32, %arg2: memref<128x128xi32, #tpu.memory_space<hbm>>, %arg3: memref<8192x256xf32, #tpu.memory_space<hbm>>, %arg4: memref<16384x256xf32, #tpu.memory_space<hbm>>, %arg5: memref<32x8192xi32, #tpu.memory_space<hbm>>, %arg6: memref<4x128xi32, #tpu.memory_space<vmem>>, %arg7: memref<128x256xf32, #tpu.memory_space<vmem>>, %arg8: memref<8192xi32, #tpu.memory_space<vmem>>, %arg9: memref<!tpu.dma_semaphore, #tpu.memory_space<semaphore_mem>>) attributes {dimension_semantics = [#tpu.dimension_semantics<core_parallel>, #tpu.dimension_semantics<subcore_parallel>], iteration_bounds = array<i64: 2, 16>, scalar_prefetch = 0 : i64, scratch_operands = 4 : i64, tpu.core_type = #tpu.core_type<sc_vector_subcore>, window_params = [{transform_indices = #map}, {transform_indices = #map}, {transform_indices = #map}, {transform_indices = #map}]} {
    %mul3A = arith.constant 2 : i32
    %mul3A_0 = arith.muli %arg1, %mul3A : i32
    %add3A = arith.addi %mul3A_0, %arg0 : i32
    %mul3A_1 = arith.constant 4 : i32
    %mul3A_2 = arith.muli %add3A, %mul3A_1 : i32
    "tpu.region"() ({
      %run_scoped3A = tpu.sem_alloc : memref<!tpu.dma_semaphore, #tpu.memory_space<semaphore_mem>>
      %dma_start3A = arith.constant 0 : i32
      %dma_start3A_17 = tpu.memref_slice %arg2[%mul3A_2, %dma_start3A] : memref<128x128xi32, #tpu.memory_space<hbm>> -> memref<4x128xi32, #tpu.memory_space<hbm>>
      %dma_start3A_18 = arith.constant 0 : i32
      %dma_start3A_19 = tpu.memref_slice %arg2[%mul3A_2, %dma_start3A_18] : memref<128x128xi32, #tpu.memory_space<hbm>> -> memref<4x128xi32, #tpu.memory_space<hbm>>
      tpu.enqueue_dma source(%dma_start3A_19 : memref<4x128xi32, #tpu.memory_space<hbm>>) target(%arg6 : memref<4x128xi32, #tpu.memory_space<vmem>>) target_semaphore(%run_scoped3A : memref<!tpu.dma_semaphore, #tpu.memory_space<semaphore_mem>>)
      %dma_wait3A = arith.constant 0 : i32
      %dma_wait3A_20 = tpu.memref_slice %arg2[%mul3A_2, %dma_wait3A] : memref<128x128xi32, #tpu.memory_space<hbm>> -> memref<4x128xi32, #tpu.memory_space<hbm>>
      %dma_wait3A_21 = arith.constant 0 : i32
      %dma_wait3A_22 = tpu.memref_slice %arg2[%mul3A_2, %dma_wait3A_21] : memref<128x128xi32, #tpu.memory_space<hbm>> -> memref<4x128xi32, #tpu.memory_space<hbm>>
      tpu.wait_dma2 semaphore(%run_scoped3A : memref<!tpu.dma_semaphore, #tpu.memory_space<semaphore_mem>>) src(%dma_wait3A_22 : memref<4x128xi32, #tpu.memory_space<hbm>>) dst(%arg6 : memref<4x128xi32, #tpu.memory_space<vmem>>)
      tpu.yield
    }) : () -> ()
    %scan3A = arith.constant 0 : i32
    %scan3A_3 = arith.constant 0 : i32
    %scan3A_4 = arith.constant 512 : i32
    %scan3A_5 = arith.addi %scan3A_3, %scan3A_4 : i32
    %scan3A_6 = arith.constant 1 : i32
    %scan3A_7 = scf.for %scan3A_17 = %scan3A_3 to %scan3A_5 step %scan3A_6 iter_args(%scan3A_18 = %scan3A) -> (i32)  : i32 {
      %broadcast_in_dim3A_19 = arith.constant 0 : i32
      %broadcast_in_dim3A_20 = vector.broadcast %broadcast_in_dim3A_19 : i32 to vector<16xi32>
      %mul3A_21 = arith.constant 16 : i32
      %mul3A_22 = arith.muli %scan3A_17, %mul3A_21 : i32
      %swap3A = arith.index_cast %mul3A_22 : i32 to index
      %swap3A_23 = tpu.vector_load %arg8[%swap3A] {strides = array<i32>} : memref<8192xi32, #tpu.memory_space<vmem>>, vector<16xi32>,
      tpu.vector_store %arg8[%swap3A], %broadcast_in_dim3A_20 {strides = array<i32>} : memref<8192xi32, #tpu.memory_space<vmem>>, vector<16xi32>,
      %scan3A_24 = arith.constant 0 : i32
      scf.yield %scan3A_24 : i32
    }
    %scan3A_8 = arith.constant 512 : i32
    %broadcast_in_dim3A = arith.constant 1 : i32
    %broadcast_in_dim3A_9 = vector.broadcast %broadcast_in_dim3A : i32 to vector<16xi32>
    %scan3A_10 = arith.constant 0 : i32
    %scan3A_11 = arith.constant 0 : i32
    %scan3A_12 = arith.constant 4 : i32
    %scan3A_13 = arith.addi %scan3A_11, %scan3A_12 : i32
    %scan3A_14 = arith.constant 1 : i32
    %scan3A_15 = scf.for %scan3A_17 = %scan3A_11 to %scan3A_13 step %scan3A_14 iter_args(%scan3A_18 = %scan3A_10) -> (i32)  : i32 {
      %dma_start3A = arith.constant 0 : i32
      %dma_start3A_19 = tpu.memref_slice %arg6[%scan3A_17, %dma_start3A] : memref<4x128xi32, #tpu.memory_space<vmem>> -> memref<1x128xi32, #tpu.memory_space<vmem>>
      %dma_start3A_20 = tpu.memref_squeeze %dma_start3A_19 : memref<1x128xi32, #tpu.memory_space<vmem>> -> memref<128xi32, #tpu.memory_space<vmem>>
      %dma_start3A_21 = arith.constant 0 : i32
      %dma_start3A_22 = arith.constant 0 : i32
      %dma_start3A_23 = tpu.memref_slice %arg3[%dma_start3A_21, %dma_start3A_22] : memref<8192x256xf32, #tpu.memory_space<hbm>> -> memref<8192x256xf32, #tpu.memory_space<hbm>>
      tpu.enqueue_indirect_dma source(%dma_start3A_23 : memref<8192x256xf32, #tpu.memory_space<hbm>>) target(%arg7 : memref<128x256xf32, #tpu.memory_space<vmem>>) offsets(%dma_start3A_20 : memref<128xi32, #tpu.memory_space<vmem>>) semaphore(%arg9 : memref<!tpu.dma_semaphore, #tpu.memory_space<semaphore_mem>>)
      %dma_wait3A = arith.constant 0 : i32
      %dma_wait3A_24 = tpu.memref_slice %arg6[%scan3A_17, %dma_wait3A] : memref<4x128xi32, #tpu.memory_space<vmem>> -> memref<1x128xi32, #tpu.memory_space<vmem>>
      %dma_wait3A_25 = tpu.memref_squeeze %dma_wait3A_24 : memref<1x128xi32, #tpu.memory_space<vmem>> -> memref<128xi32, #tpu.memory_space<vmem>>
      %dma_wait3A_26 = arith.constant 0 : i32
      %dma_wait3A_27 = arith.constant 0 : i32
      %dma_wait3A_28 = tpu.memref_slice %arg3[%dma_wait3A_26, %dma_wait3A_27] : memref<8192x256xf32, #tpu.memory_space<hbm>> -> memref<8192x256xf32, #tpu.memory_space<hbm>>
      tpu.wait_indirect_dma semaphore(%arg9 : memref<!tpu.dma_semaphore, #tpu.memory_space<semaphore_mem>>) src(%dma_wait3A_28 : memref<8192x256xf32, #tpu.memory_space<hbm>>) dst(%arg7 : memref<128x256xf32, #tpu.memory_space<vmem>>)
      %mul3A_29 = arith.constant 512 : i32
      %mul3A_30 = arith.muli %add3A, %mul3A_29 : i32
      %mul3A_31 = arith.constant 128 : i32
      %mul3A_32 = arith.muli %scan3A_17, %mul3A_31 : i32
      %add3A_33 = arith.addi %mul3A_30, %mul3A_32 : i32
      "tpu.region"() ({
        %run_scoped3A = tpu.sem_alloc : memref<!tpu.dma_semaphore, #tpu.memory_space<semaphore_mem>>
        %dma_start3A_42 = arith.constant 0 : i32
        %dma_start3A_43 = tpu.memref_slice %arg4[%add3A_33, %dma_start3A_42] : memref<16384x256xf32, #tpu.memory_space<hbm>> -> memref<128x256xf32, #tpu.memory_space<hbm>>
        %dma_start3A_44 = arith.constant 0 : i32
        %dma_start3A_45 = tpu.memref_slice %arg4[%add3A_33, %dma_start3A_44] : memref<16384x256xf32, #tpu.memory_space<hbm>> -> memref<128x256xf32, #tpu.memory_space<hbm>>
        tpu.enqueue_dma source(%arg7 : memref<128x256xf32, #tpu.memory_space<vmem>>) target(%dma_start3A_45 : memref<128x256xf32, #tpu.memory_space<hbm>>) target_semaphore(%run_scoped3A : memref<!tpu.dma_semaphore, #tpu.memory_space<semaphore_mem>>)
        %dma_wait3A_46 = arith.constant 0 : i32
        %dma_wait3A_47 = tpu.memref_slice %arg4[%add3A_33, %dma_wait3A_46] : memref<16384x256xf32, #tpu.memory_space<hbm>> -> memref<128x256xf32, #tpu.memory_space<hbm>>
        %dma_wait3A_48 = arith.constant 0 : i32
        %dma_wait3A_49 = tpu.memref_slice %arg4[%add3A_33, %dma_wait3A_48] : memref<16384x256xf32, #tpu.memory_space<hbm>> -> memref<128x256xf32, #tpu.memory_space<hbm>>
        tpu.wait_dma2 semaphore(%run_scoped3A : memref<!tpu.dma_semaphore, #tpu.memory_space<semaphore_mem>>) src(%arg7 : memref<128x256xf32, #tpu.memory_space<vmem>>) dst(%dma_wait3A_49 : memref<128x256xf32, #tpu.memory_space<hbm>>)
        tpu.yield
      }) : () -> ()
      %scan3A_34 = arith.constant 0 : i32
      %scan3A_35 = arith.constant 0 : i32
      %scan3A_36 = arith.constant 8 : i32
      %scan3A_37 = arith.addi %scan3A_35, %scan3A_36 : i32
      %scan3A_38 = arith.constant 1 : i32
      %scan3A_39 = scf.for %scan3A_42 = %scan3A_35 to %scan3A_37 step %scan3A_38 iter_args(%scan3A_43 = %scan3A_34) -> (i32)  : i32 {
        %mul3A_44 = arith.constant 16 : i32
        %mul3A_45 = arith.muli %scan3A_42, %mul3A_44 : i32
        %get3A = arith.index_cast %scan3A_17 : i32 to index
        %get3A_46 = arith.index_cast %mul3A_45 : i32 to index
        %get3A_47 = tpu.vector_load %arg6[%get3A, %get3A_46] {strides = array<i32>} : memref<4x128xi32, #tpu.memory_space<vmem>>, vector<16xi32>,
        tpu.vector_store_idx %arg8[%get3A_47], %broadcast_in_dim3A_9 {add = true} : memref<8192xi32, #tpu.memory_space<vmem>>[vector<16xi32>], vector<16xi32>,
        %scan3A_48 = arith.constant 0 : i32
        scf.yield %scan3A_48 : i32
      }
      %scan3A_40 = arith.constant 8 : i32
      %scan3A_41 = arith.constant 0 : i32
      scf.yield %scan3A_41 : i32
    }
    %scan3A_16 = arith.constant 4 : i32
    "tpu.region"() ({
      %run_scoped3A = tpu.sem_alloc : memref<!tpu.dma_semaphore, #tpu.memory_space<semaphore_mem>>
      %dma_start3A = arith.constant 0 : i32
      %dma_start3A_17 = tpu.memref_slice %arg5[%add3A, %dma_start3A] : memref<32x8192xi32, #tpu.memory_space<hbm>> -> memref<1x8192xi32, #tpu.memory_space<hbm>>
      %dma_start3A_18 = tpu.memref_squeeze %dma_start3A_17 : memref<1x8192xi32, #tpu.memory_space<hbm>> -> memref<8192xi32, #tpu.memory_space<hbm>>
      %dma_start3A_19 = arith.constant 0 : i32
      %dma_start3A_20 = tpu.memref_slice %arg5[%add3A, %dma_start3A_19] : memref<32x8192xi32, #tpu.memory_space<hbm>> -> memref<1x8192xi32, #tpu.memory_space<hbm>>
      %dma_start3A_21 = tpu.memref_squeeze %dma_start3A_20 : memref<1x8192xi32, #tpu.memory_space<hbm>> -> memref<8192xi32, #tpu.memory_space<hbm>>
      tpu.enqueue_dma source(%arg8 : memref<8192xi32, #tpu.memory_space<vmem>>) target(%dma_start3A_21 : memref<8192xi32, #tpu.memory_space<hbm>>) target_semaphore(%run_scoped3A : memref<!tpu.dma_semaphore, #tpu.memory_space<semaphore_mem>>)
      %dma_wait3A = arith.constant 0 : i32
      %dma_wait3A_22 = tpu.memref_slice %arg5[%add3A, %dma_wait3A] : memref<32x8192xi32, #tpu.memory_space<hbm>> -> memref<1x8192xi32, #tpu.memory_space<hbm>>
      %dma_wait3A_23 = tpu.memref_squeeze %dma_wait3A_22 : memref<1x8192xi32, #tpu.memory_space<hbm>> -> memref<8192xi32, #tpu.memory_space<hbm>>
      %dma_wait3A_24 = arith.constant 0 : i32
      %dma_wait3A_25 = tpu.memref_slice %arg5[%add3A, %dma_wait3A_24] : memref<32x8192xi32, #tpu.memory_space<hbm>> -> memref<1x8192xi32, #tpu.memory_space<hbm>>
      %dma_wait3A_26 = tpu.memref_squeeze %dma_wait3A_25 : memref<1x8192xi32, #tpu.memory_space<hbm>> -> memref<8192xi32, #tpu.memory_space<hbm>>
      tpu.wait_dma2 semaphore(%run_scoped3A : memref<!tpu.dma_semaphore, #tpu.memory_space<semaphore_mem>>) src(%arg8 : memref<8192xi32, #tpu.memory_space<vmem>>) dst(%dma_wait3A_26 : memref<8192xi32, #tpu.memory_space<hbm>>)
      tpu.yield
    }) : () -> ()
    return
  }
}

#map = affine_map<(d0, d1) -> (0, 0)>
module attributes {stable_mosaic.version = 14 : i64} {
  func.func @_sc_gather_hist(%arg0: i32, %arg1: i32, %arg2: memref<128x128xi32, #tpu.memory_space<hbm>>, %arg3: memref<8192x256xf32, #tpu.memory_space<hbm>>, %arg4: memref<16384x256xf32, #tpu.memory_space<hbm>>, %arg5: memref<32x8192xi32, #tpu.memory_space<hbm>>, %arg6: memref<4x128xi32, #tpu.memory_space<vmem>>, %arg7: memref<128x256xf32, #tpu.memory_space<vmem>>, %arg8: memref<8192xi32, #tpu.memory_space<vmem>>, %arg9: memref<!tpu.dma_semaphore, #tpu.memory_space<semaphore_mem>>) attributes {dimension_semantics = [#tpu.dimension_semantics<core_parallel>, #tpu.dimension_semantics<subcore_parallel>], iteration_bounds = array<i64: 2, 16>, scalar_prefetch = 0 : i64, scratch_operands = 4 : i64, tpu.core_type = #tpu.core_type<sc_vector_subcore>, window_params = [{transform_indices = #map}, {transform_indices = #map}, {transform_indices = #map}, {transform_indices = #map}]} {
    %mul3A = arith.constant 2 : i32
    %mul3A_0 = arith.muli %arg1, %mul3A : i32
    %add3A = arith.addi %mul3A_0, %arg0 : i32
    %mul3A_1 = arith.constant 4 : i32
    %mul3A_2 = arith.muli %add3A, %mul3A_1 : i32
    "tpu.region"() ({
      %run_scoped3A = tpu.sem_alloc : memref<!tpu.dma_semaphore, #tpu.memory_space<semaphore_mem>>
      %dma_start3A = arith.constant 0 : i32
      %dma_start3A_17 = tpu.memref_slice %arg2[%mul3A_2, %dma_start3A] : memref<128x128xi32, #tpu.memory_space<hbm>> -> memref<4x128xi32, #tpu.memory_space<hbm>>
      %dma_start3A_18 = arith.constant 0 : i32
      %dma_start3A_19 = tpu.memref_slice %arg2[%mul3A_2, %dma_start3A_18] : memref<128x128xi32, #tpu.memory_space<hbm>> -> memref<4x128xi32, #tpu.memory_space<hbm>>
      tpu.enqueue_dma source(%dma_start3A_19 : memref<4x128xi32, #tpu.memory_space<hbm>>) target(%arg6 : memref<4x128xi32, #tpu.memory_space<vmem>>) target_semaphore(%run_scoped3A : memref<!tpu.dma_semaphore, #tpu.memory_space<semaphore_mem>>)
      %dma_wait3A = arith.constant 0 : i32
      %dma_wait3A_20 = tpu.memref_slice %arg2[%mul3A_2, %dma_wait3A] : memref<128x128xi32, #tpu.memory_space<hbm>> -> memref<4x128xi32, #tpu.memory_space<hbm>>
      %dma_wait3A_21 = arith.constant 0 : i32
      %dma_wait3A_22 = tpu.memref_slice %arg2[%mul3A_2, %dma_wait3A_21] : memref<128x128xi32, #tpu.memory_space<hbm>> -> memref<4x128xi32, #tpu.memory_space<hbm>>
      tpu.wait_dma2 semaphore(%run_scoped3A : memref<!tpu.dma_semaphore, #tpu.memory_space<semaphore_mem>>) src(%dma_wait3A_22 : memref<4x128xi32, #tpu.memory_space<hbm>>) dst(%arg6 : memref<4x128xi32, #tpu.memory_space<vmem>>)
      tpu.yield
    }) : () -> ()
    %scan3A = arith.constant 0 : i32
    %scan3A_3 = arith.constant 0 : i32
    %scan3A_4 = arith.constant 512 : i32
    %scan3A_5 = arith.addi %scan3A_3, %scan3A_4 : i32
    %scan3A_6 = arith.constant 1 : i32
    %scan3A_7 = scf.for %scan3A_17 = %scan3A_3 to %scan3A_5 step %scan3A_6 iter_args(%scan3A_18 = %scan3A) -> (i32)  : i32 {
      %broadcast_in_dim3A_19 = arith.constant 0 : i32
      %broadcast_in_dim3A_20 = vector.broadcast %broadcast_in_dim3A_19 : i32 to vector<16xi32>
      %mul3A_21 = arith.constant 16 : i32
      %mul3A_22 = arith.muli %scan3A_17, %mul3A_21 : i32
      %swap3A = arith.index_cast %mul3A_22 : i32 to index
      %swap3A_23 = tpu.vector_load %arg8[%swap3A] {strides = array<i32>} : memref<8192xi32, #tpu.memory_space<vmem>>, vector<16xi32>,
      tpu.vector_store %arg8[%swap3A], %broadcast_in_dim3A_20 {strides = array<i32>} : memref<8192xi32, #tpu.memory_space<vmem>>, vector<16xi32>,
      %scan3A_24 = arith.constant 0 : i32
      scf.yield %scan3A_24 : i32
    }
    %scan3A_8 = arith.constant 512 : i32
    %broadcast_in_dim3A = arith.constant 1 : i32
    %broadcast_in_dim3A_9 = vector.broadcast %broadcast_in_dim3A : i32 to vector<16xi32>
    %scan3A_10 = arith.constant 0 : i32
    %scan3A_11 = arith.constant 0 : i32
    %scan3A_12 = arith.constant 4 : i32
    %scan3A_13 = arith.addi %scan3A_11, %scan3A_12 : i32
    %scan3A_14 = arith.constant 1 : i32
    %scan3A_15 = scf.for %scan3A_17 = %scan3A_11 to %scan3A_13 step %scan3A_14 iter_args(%scan3A_18 = %scan3A_10) -> (i32)  : i32 {
      %dma_start3A = arith.constant 0 : i32
      %dma_start3A_19 = tpu.memref_slice %arg6[%scan3A_17, %dma_start3A] : memref<4x128xi32, #tpu.memory_space<vmem>> -> memref<1x128xi32, #tpu.memory_space<vmem>>
      %dma_start3A_20 = tpu.memref_squeeze %dma_start3A_19 : memref<1x128xi32, #tpu.memory_space<vmem>> -> memref<128xi32, #tpu.memory_space<vmem>>
      %dma_start3A_21 = arith.constant 0 : i32
      %dma_start3A_22 = arith.constant 0 : i32
      %dma_start3A_23 = tpu.memref_slice %arg3[%dma_start3A_21, %dma_start3A_22] : memref<8192x256xf32, #tpu.memory_space<hbm>> -> memref<8192x256xf32, #tpu.memory_space<hbm>>
      tpu.enqueue_indirect_dma source(%dma_start3A_23 : memref<8192x256xf32, #tpu.memory_space<hbm>>) target(%arg7 : memref<128x256xf32, #tpu.memory_space<vmem>>) offsets(%dma_start3A_20 : memref<128xi32, #tpu.memory_space<vmem>>) semaphore(%arg9 : memref<!tpu.dma_semaphore, #tpu.memory_space<semaphore_mem>>)
      %dma_wait3A = arith.constant 0 : i32
      %dma_wait3A_24 = tpu.memref_slice %arg6[%scan3A_17, %dma_wait3A] : memref<4x128xi32, #tpu.memory_space<vmem>> -> memref<1x128xi32, #tpu.memory_space<vmem>>
      %dma_wait3A_25 = tpu.memref_squeeze %dma_wait3A_24 : memref<1x128xi32, #tpu.memory_space<vmem>> -> memref<128xi32, #tpu.memory_space<vmem>>
      %dma_wait3A_26 = arith.constant 0 : i32
      %dma_wait3A_27 = arith.constant 0 : i32
      %dma_wait3A_28 = tpu.memref_slice %arg3[%dma_wait3A_26, %dma_wait3A_27] : memref<8192x256xf32, #tpu.memory_space<hbm>> -> memref<8192x256xf32, #tpu.memory_space<hbm>>
      tpu.wait_indirect_dma semaphore(%arg9 : memref<!tpu.dma_semaphore, #tpu.memory_space<semaphore_mem>>) src(%dma_wait3A_28 : memref<8192x256xf32, #tpu.memory_space<hbm>>) dst(%arg7 : memref<128x256xf32, #tpu.memory_space<vmem>>)
      %mul3A_29 = arith.constant 512 : i32
      %mul3A_30 = arith.muli %add3A, %mul3A_29 : i32
      %mul3A_31 = arith.constant 128 : i32
      %mul3A_32 = arith.muli %scan3A_17, %mul3A_31 : i32
      %add3A_33 = arith.addi %mul3A_30, %mul3A_32 : i32
      "tpu.region"() ({
        %run_scoped3A = tpu.sem_alloc : memref<!tpu.dma_semaphore, #tpu.memory_space<semaphore_mem>>
        %dma_start3A_42 = arith.constant 0 : i32
        %dma_start3A_43 = tpu.memref_slice %arg4[%add3A_33, %dma_start3A_42] : memref<16384x256xf32, #tpu.memory_space<hbm>> -> memref<128x256xf32, #tpu.memory_space<hbm>>
        %dma_start3A_44 = arith.constant 0 : i32
        %dma_start3A_45 = tpu.memref_slice %arg4[%add3A_33, %dma_start3A_44] : memref<16384x256xf32, #tpu.memory_space<hbm>> -> memref<128x256xf32, #tpu.memory_space<hbm>>
        tpu.enqueue_dma source(%arg7 : memref<128x256xf32, #tpu.memory_space<vmem>>) target(%dma_start3A_45 : memref<128x256xf32, #tpu.memory_space<hbm>>) target_semaphore(%run_scoped3A : memref<!tpu.dma_semaphore, #tpu.memory_space<semaphore_mem>>)
        %dma_wait3A_46 = arith.constant 0 : i32
        %dma_wait3A_47 = tpu.memref_slice %arg4[%add3A_33, %dma_wait3A_46] : memref<16384x256xf32, #tpu.memory_space<hbm>> -> memref<128x256xf32, #tpu.memory_space<hbm>>
        %dma_wait3A_48 = arith.constant 0 : i32
        %dma_wait3A_49 = tpu.memref_slice %arg4[%add3A_33, %dma_wait3A_48] : memref<16384x256xf32, #tpu.memory_space<hbm>> -> memref<128x256xf32, #tpu.memory_space<hbm>>
        tpu.wait_dma2 semaphore(%run_scoped3A : memref<!tpu.dma_semaphore, #tpu.memory_space<semaphore_mem>>) src(%arg7 : memref<128x256xf32, #tpu.memory_space<vmem>>) dst(%dma_wait3A_49 : memref<128x256xf32, #tpu.memory_space<hbm>>)
        tpu.yield
      }) : () -> ()
      %scan3A_34 = arith.constant 0 : i32
      %scan3A_35 = arith.constant 0 : i32
      %scan3A_36 = arith.constant 8 : i32
      %scan3A_37 = arith.addi %scan3A_35, %scan3A_36 : i32
      %scan3A_38 = arith.constant 1 : i32
      %scan3A_39 = scf.for %scan3A_42 = %scan3A_35 to %scan3A_37 step %scan3A_38 iter_args(%scan3A_43 = %scan3A_34) -> (i32)  : i32 {
        %mul3A_44 = arith.constant 16 : i32
        %mul3A_45 = arith.muli %scan3A_42, %mul3A_44 : i32
        %get3A = arith.index_cast %scan3A_17 : i32 to index
        %get3A_46 = arith.index_cast %mul3A_45 : i32 to index
        %get3A_47 = tpu.vector_load %arg6[%get3A, %get3A_46] {strides = array<i32>} : memref<4x128xi32, #tpu.memory_space<vmem>>, vector<16xi32>,
        tpu.vector_store_idx %arg8[%get3A_47], %broadcast_in_dim3A_9 {add = true} : memref<8192xi32, #tpu.memory_space<vmem>>[vector<16xi32>], vector<16xi32>,
        %scan3A_48 = arith.constant 0 : i32
        scf.yield %scan3A_48 : i32
      }
      %scan3A_40 = arith.constant 8 : i32
      %scan3A_41 = arith.constant 0 : i32
      scf.yield %scan3A_41 : i32
    }
    %scan3A_16 = arith.constant 4 : i32
    "tpu.region"() ({
      %run_scoped3A = tpu.sem_alloc : memref<!tpu.dma_semaphore, #tpu.memory_space<semaphore_mem>>
      %dma_start3A = arith.constant 0 : i32
      %dma_start3A_17 = tpu.memref_slice %arg5[%add3A, %dma_start3A] : memref<32x8192xi32, #tpu.memory_space<hbm>> -> memref<1x8192xi32, #tpu.memory_space<hbm>>
      %dma_start3A_18 = tpu.memref_squeeze %dma_start3A_17 : memref<1x8192xi32, #tpu.memory_space<hbm>> -> memref<8192xi32, #tpu.memory_space<hbm>>
      %dma_start3A_19 = arith.constant 0 : i32
      %dma_start3A_20 = tpu.memref_slice %arg5[%add3A, %dma_start3A_19] : memref<32x8192xi32, #tpu.memory_space<hbm>> -> memref<1x8192xi32, #tpu.memory_space<hbm>>
      %dma_start3A_21 = tpu.memref_squeeze %dma_start3A_20 : memref<1x8192xi32, #tpu.memory_space<hbm>> -> memref<8192xi32, #tpu.memory_space<hbm>>
      tpu.enqueue_dma source(%arg8 : memref<8192xi32, #tpu.memory_space<vmem>>) target(%dma_start3A_21 : memref<8192xi32, #tpu.memory_space<hbm>>) target_semaphore(%run_scoped3A : memref<!tpu.dma_semaphore, #tpu.memory_space<semaphore_mem>>)
      %dma_wait3A = arith.constant 0 : i32
      %dma_wait3A_22 = tpu.memref_slice %arg5[%add3A, %dma_wait3A] : memref<32x8192xi32, #tpu.memory_space<hbm>> -> memref<1x8192xi32, #tpu.memory_space<hbm>>
      %dma_wait3A_23 = tpu.memref_squeeze %dma_wait3A_22 : memref<1x8192xi32, #tpu.memory_space<hbm>> -> memref<8192xi32, #tpu.memory_space<hbm>>
      %dma_wait3A_24 = arith.constant 0 : i32
      %dma_wait3A_25 = tpu.memref_slice %arg5[%add3A, %dma_wait3A_24] : memref<32x8192xi32, #tpu.memory_space<hbm>> -> memref<1x8192xi32, #tpu.memory_space<hbm>>
      %dma_wait3A_26 = tpu.memref_squeeze %dma_wait3A_25 : memref<1x8192xi32, #tpu.memory_space<hbm>> -> memref<8192xi32, #tpu.memory_space<hbm>>
      tpu.wait_dma2 semaphore(%run_scoped3A : memref<!tpu.dma_semaphore, #tpu.memory_space<semaphore_mem>>) src(%arg8 : memref<8192xi32, #tpu.memory_space<vmem>>) dst(%dma_wait3A_26 : memref<8192xi32, #tpu.memory_space<hbm>>)
      tpu.yield
    }) : () -> ()
    return
  }
}

module attributes {stable_mosaic.version = 14 : i64} {
  func.func @_argmax_body(%arg0: i32, %arg1: memref<512x256xf32, #tpu.memory_space<vmem>>, %arg2: memref<256x8448xf32, #tpu.memory_space<vmem>>, %arg3: memref<512xf32, #tpu.memory_space<vmem>>, %arg4: memref<1x8448xf32, #tpu.memory_space<vmem>>, %arg5: memref<512xi32, #tpu.memory_space<vmem>>) attributes {dimension_semantics = [#tpu.dimension_semantics<arbitrary>], iteration_bounds = array<i64: 32>, scalar_prefetch = 0 : i64, scratch_operands = 0 : i64, tpu.core_type = #tpu.core_type<tc>, window_params = [{transform_indices = @transform_0, window_bounds = array<i64: 512, 256>}, {pipeline_mode = #tpu.pipeline_mode<synchronous>, transform_indices = @transform_1, window_bounds = array<i64: 256, 8448>}, {transform_indices = @transform_2, window_bounds = array<i64: 512>}, {pipeline_mode = #tpu.pipeline_mode<synchronous>, transform_indices = @transform_3, window_bounds = array<i64: 1, 8448>}, {transform_indices = @transform_4, window_bounds = array<i64: 512>}]} {
    %get3A = arith.constant 0 : index
    %get3A_0 = arith.constant 0 : index
    %get3A_1 = vector.load %arg1[%get3A, %get3A_0] : memref<512x256xf32, #tpu.memory_space<vmem>>, vector<512x256xf32>
    %get3A_2 = arith.constant 0 : index
    %get3A_3 = arith.constant 0 : index
    %get3A_4 = vector.load %arg2[%get3A_2, %get3A_3] : memref<256x8448xf32, #tpu.memory_space<vmem>>, vector<256x8448xf32>
    %dot_general3A = arith.constant dense<0.000000e+00> : vector<512x8448xf32>
    %dot_general3A_5 = tpu.matmul %get3A_1, %get3A_4, %dot_general3A {dimension_numbers = #tpu.dot_dimension_numbers<[1], [0], [0], [1], [0, 0, 1, 1], [], []>, transpose_lhs_hint = false} : vector<512x256xf32>, vector<256x8448xf32>, vector<512x8448xf32> -> vector<512x8448xf32>
    %get3A_6 = arith.constant 0 : index
    %get3A_7 = vector.load %arg3[%get3A_6] : memref<512xf32, #tpu.memory_space<vmem>>, vector<512xf32>
    %reshape3A = vector.shape_cast %get3A_7 : vector<512xf32> to vector<512x1xf32>
    %sub3A = vector.broadcast %reshape3A : vector<512x1xf32> to vector<512x8448xf32>
    %sub3A_8 = arith.subf %sub3A, %dot_general3A_5 : vector<512x8448xf32>
    %get3A_9 = arith.constant 0 : index
    %get3A_10 = arith.constant 0 : index
    %get3A_11 = vector.load %arg4[%get3A_9, %get3A_10] : memref<1x8448xf32, #tpu.memory_space<vmem>>, vector<1x8448xf32>
    %add3A = vector.broadcast %get3A_11 : vector<1x8448xf32> to vector<512x8448xf32>
    %add3A_12 = arith.addf %sub3A_8, %add3A : vector<512x8448xf32>
    %iota3A = tpu.iota {dimensions = array<i32: 1>} : vector<1x2816xi32>
    %slice3A = vector.extract_strided_slice %add3A_12 {offsets = [0, 0], sizes = [512, 2816], strides = [1, 1]} : vector<512x8448xf32> to vector<512x2816xf32>
    %reduce_min3A = arith.constant dense<0x7F800000> : vector<512xf32>
    %reduce_min3A_13 = vector.multi_reduction <minimumf>, %slice3A, %reduce_min3A [1] : vector<512x2816xf32> to vector<512xf32>
    %broadcast_in_dim3A = vector.shape_cast %reduce_min3A_13 : vector<512xf32> to vector<512x1xf32>
    %eq3A = vector.broadcast %broadcast_in_dim3A : vector<512x1xf32> to vector<512x2816xf32>
    %eq3A_14 = arith.cmpf oeq, %slice3A, %eq3A : vector<512x2816xf32>
    %jit3A = arith.constant 1073741824 : i32
    %broadcast_in_dim3A_15 = vector.shape_cast %iota3A : vector<1x2816xi32> to vector<1x2816xi32>
    %broadcast_in_dim3A_16 = vector.broadcast %broadcast_in_dim3A_15 : vector<1x2816xi32> to vector<512x2816xi32>
    %broadcast_in_dim3A_17 = vector.broadcast %jit3A : i32 to vector<512x2816xi32>
    %select_n3A = arith.select %eq3A_14, %broadcast_in_dim3A_16, %broadcast_in_dim3A_17 : vector<512x2816xi1>, vector<512x2816xi32>
    %reduce_min3A_18 = arith.constant dense<2147483647> : vector<512xi32>
    %reduce_min3A_19 = vector.multi_reduction <minsi>, %select_n3A, %reduce_min3A_18 [1] : vector<512x2816xi32> to vector<512xi32>
    %slice3A_20 = vector.extract_strided_slice %add3A_12 {offsets = [0, 2816], sizes = [512, 2816], strides = [1, 1]} : vector<512x8448xf32> to vector<512x2816xf32>
    %reduce_min3A_21 = arith.constant dense<0x7F800000> : vector<512xf32>
    %reduce_min3A_22 = vector.multi_reduction <minimumf>, %slice3A_20, %reduce_min3A_21 [1] : vector<512x2816xf32> to vector<512xf32>
    %broadcast_in_dim3A_23 = vector.shape_cast %reduce_min3A_22 : vector<512xf32> to vector<512x1xf32>
    %eq3A_24 = vector.broadcast %broadcast_in_dim3A_23 : vector<512x1xf32> to vector<512x2816xf32>
    %eq3A_25 = arith.cmpf oeq, %slice3A_20, %eq3A_24 : vector<512x2816xf32>
    %jit3A_26 = arith.constant 1073741824 : i32
    %broadcast_in_dim3A_27 = vector.shape_cast %iota3A : vector<1x2816xi32> to vector<1x2816xi32>
    %broadcast_in_dim3A_28 = vector.broadcast %broadcast_in_dim3A_27 : vector<1x2816xi32> to vector<512x2816xi32>
    %broadcast_in_dim3A_29 = vector.broadcast %jit3A_26 : i32 to vector<512x2816xi32>
    %select_n3A_30 = arith.select %eq3A_25, %broadcast_in_dim3A_28, %broadcast_in_dim3A_29 : vector<512x2816xi1>, vector<512x2816xi32>
    %reduce_min3A_31 = arith.constant dense<2147483647> : vector<512xi32>
    %reduce_min3A_32 = vector.multi_reduction <minsi>, %select_n3A_30, %reduce_min3A_31 [1] : vector<512x2816xi32> to vector<512xi32>
    %slice3A_33 = vector.extract_strided_slice %add3A_12 {offsets = [0, 5632], sizes = [512, 2816], strides = [1, 1]} : vector<512x8448xf32> to vector<512x2816xf32>
    %reduce_min3A_34 = arith.constant dense<0x7F800000> : vector<512xf32>
    %reduce_min3A_35 = vector.multi_reduction <minimumf>, %slice3A_33, %reduce_min3A_34 [1] : vector<512x2816xf32> to vector<512xf32>
    %broadcast_in_dim3A_36 = vector.shape_cast %reduce_min3A_35 : vector<512xf32> to vector<512x1xf32>
    %eq3A_37 = vector.broadcast %broadcast_in_dim3A_36 : vector<512x1xf32> to vector<512x2816xf32>
    %eq3A_38 = arith.cmpf oeq, %slice3A_33, %eq3A_37 : vector<512x2816xf32>
    %jit3A_39 = arith.constant 1073741824 : i32
    %broadcast_in_dim3A_40 = vector.shape_cast %iota3A : vector<1x2816xi32> to vector<1x2816xi32>
    %broadcast_in_dim3A_41 = vector.broadcast %broadcast_in_dim3A_40 : vector<1x2816xi32> to vector<512x2816xi32>
    %broadcast_in_dim3A_42 = vector.broadcast %jit3A_39 : i32 to vector<512x2816xi32>
    %select_n3A_43 = arith.select %eq3A_38, %broadcast_in_dim3A_41, %broadcast_in_dim3A_42 : vector<512x2816xi1>, vector<512x2816xi32>
    %reduce_min3A_44 = arith.constant dense<2147483647> : vector<512xi32>
    %reduce_min3A_45 = vector.multi_reduction <minsi>, %select_n3A_43, %reduce_min3A_44 [1] : vector<512x2816xi32> to vector<512xi32>
    %convert_element_type3A = arith.truncf %reduce_min3A_13 : vector<512xf32> to vector<512xbf16>
    %convert_element_type3A_46 = arith.extf %convert_element_type3A : vector<512xbf16> to vector<512xf32>
    %lt3A = arith.cmpf olt, %reduce_min3A_22, %convert_element_type3A_46 : vector<512xf32>
    %add3A_47 = arith.constant 2736 : i32
    %add3A_48 = vector.broadcast %add3A_47 : i32 to vector<512xi32>
    %add3A_49 = arith.addi %reduce_min3A_32, %add3A_48 : vector<512xi32>
    %select_n3A_50 = arith.select %lt3A, %add3A_49, %reduce_min3A_19 : vector<512xi1>, vector<512xi32>
    %select_n3A_51 = arith.select %lt3A, %reduce_min3A_22, %convert_element_type3A_46 : vector<512xi1>, vector<512xf32>
    %convert_element_type3A_52 = arith.truncf %select_n3A_51 : vector<512xf32> to vector<512xbf16>
    %convert_element_type3A_53 = arith.extf %convert_element_type3A_52 : vector<512xbf16> to vector<512xf32>
    %lt3A_54 = arith.cmpf olt, %reduce_min3A_35, %convert_element_type3A_53 : vector<512xf32>
    %add3A_55 = arith.constant 5472 : i32
    %add3A_56 = vector.broadcast %add3A_55 : i32 to vector<512xi32>
    %add3A_57 = arith.addi %reduce_min3A_45, %add3A_56 : vector<512xi32>
    %select_n3A_58 = arith.select %lt3A_54, %add3A_57, %select_n3A_50 : vector<512xi1>, vector<512xi32>
    %swap3A = arith.constant 0 : index
    %swap3A_59 = vector.load %arg5[%swap3A] : memref<512xi32, #tpu.memory_space<vmem>>, vector<512xi32>
    tpu.vector_store %arg5[%swap3A], %select_n3A_58 {strides = array<i32>} : memref<512xi32, #tpu.memory_space<vmem>>, vector<512xi32>,
    return
  }
  func.func @transform_0(%arg0: i32) -> (i32, i32) {
    %add3A = arith.constant 0 : i32
    %add3A_0 = arith.addi %arg0, %add3A : i32
    %c0_i32 = arith.constant 0 : i32
    %c0_i32_1 = arith.constant 0 : i32
    return %add3A_0, %c0_i32 : i32, i32
  }
  func.func @transform_1(%arg0: i32) -> (i32, i32) {
    %c0_i32 = arith.constant 0 : i32
    %c0_i32_0 = arith.constant 0 : i32
    %c0_i32_1 = arith.constant 0 : i32
    return %c0_i32, %c0_i32_0 : i32, i32
  }
  func.func @transform_2(%arg0: i32) -> i32 {
    %add3A = arith.constant 0 : i32
    %add3A_0 = arith.addi %arg0, %add3A : i32
    %c0_i32 = arith.constant 0 : i32
    return %add3A_0 : i32
  }
  func.func @transform_3(%arg0: i32) -> (i32, i32) {
    %c0_i32 = arith.constant 0 : i32
    %c0_i32_0 = arith.constant 0 : i32
    %c0_i32_1 = arith.constant 0 : i32
    return %c0_i32, %c0_i32_0 : i32, i32
  }
  func.func @transform_4(%arg0: i32) -> i32 {
    %c0_i32 = arith.constant 0 : i32
    return %arg0 : i32
  }
}

module attributes {stable_mosaic.version = 14 : i64} {
  func.func @_argmax_body(%arg0: i32, %arg1: memref<512x256xf32, #tpu.memory_space<vmem>>, %arg2: memref<256x8448xf32, #tpu.memory_space<vmem>>, %arg3: memref<512xf32, #tpu.memory_space<vmem>>, %arg4: memref<1x8448xf32, #tpu.memory_space<vmem>>, %arg5: memref<512xi32, #tpu.memory_space<vmem>>) attributes {dimension_semantics = [#tpu.dimension_semantics<arbitrary>], iteration_bounds = array<i64: 32>, scalar_prefetch = 0 : i64, scratch_operands = 0 : i64, tpu.core_type = #tpu.core_type<tc>, window_params = [{transform_indices = @transform_0, window_bounds = array<i64: 512, 256>}, {pipeline_mode = #tpu.pipeline_mode<synchronous>, transform_indices = @transform_1, window_bounds = array<i64: 256, 8448>}, {transform_indices = @transform_2, window_bounds = array<i64: 512>}, {pipeline_mode = #tpu.pipeline_mode<synchronous>, transform_indices = @transform_3, window_bounds = array<i64: 1, 8448>}, {transform_indices = @transform_4, window_bounds = array<i64: 512>}]} {
    %get3A = arith.constant 0 : index
    %get3A_0 = arith.constant 0 : index
    %get3A_1 = vector.load %arg1[%get3A, %get3A_0] : memref<512x256xf32, #tpu.memory_space<vmem>>, vector<512x256xf32>
    %get3A_2 = arith.constant 0 : index
    %get3A_3 = arith.constant 0 : index
    %get3A_4 = vector.load %arg2[%get3A_2, %get3A_3] : memref<256x8448xf32, #tpu.memory_space<vmem>>, vector<256x8448xf32>
    %dot_general3A = arith.constant dense<0.000000e+00> : vector<512x8448xf32>
    %dot_general3A_5 = tpu.matmul %get3A_1, %get3A_4, %dot_general3A {dimension_numbers = #tpu.dot_dimension_numbers<[1], [0], [0], [1], [0, 0, 1, 1], [], []>, transpose_lhs_hint = false} : vector<512x256xf32>, vector<256x8448xf32>, vector<512x8448xf32> -> vector<512x8448xf32>
    %get3A_6 = arith.constant 0 : index
    %get3A_7 = vector.load %arg3[%get3A_6] : memref<512xf32, #tpu.memory_space<vmem>>, vector<512xf32>
    %reshape3A = vector.shape_cast %get3A_7 : vector<512xf32> to vector<512x1xf32>
    %sub3A = vector.broadcast %reshape3A : vector<512x1xf32> to vector<512x8448xf32>
    %sub3A_8 = arith.subf %sub3A, %dot_general3A_5 : vector<512x8448xf32>
    %get3A_9 = arith.constant 0 : index
    %get3A_10 = arith.constant 0 : index
    %get3A_11 = vector.load %arg4[%get3A_9, %get3A_10] : memref<1x8448xf32, #tpu.memory_space<vmem>>, vector<1x8448xf32>
    %add3A = vector.broadcast %get3A_11 : vector<1x8448xf32> to vector<512x8448xf32>
    %add3A_12 = arith.addf %sub3A_8, %add3A : vector<512x8448xf32>
    %iota3A = tpu.iota {dimensions = array<i32: 1>} : vector<1x2816xi32>
    %slice3A = vector.extract_strided_slice %add3A_12 {offsets = [0, 0], sizes = [512, 2816], strides = [1, 1]} : vector<512x8448xf32> to vector<512x2816xf32>
    %reduce_min3A = arith.constant dense<0x7F800000> : vector<512xf32>
    %reduce_min3A_13 = vector.multi_reduction <minimumf>, %slice3A, %reduce_min3A [1] : vector<512x2816xf32> to vector<512xf32>
    %broadcast_in_dim3A = vector.shape_cast %reduce_min3A_13 : vector<512xf32> to vector<512x1xf32>
    %eq3A = vector.broadcast %broadcast_in_dim3A : vector<512x1xf32> to vector<512x2816xf32>
    %eq3A_14 = arith.cmpf oeq, %slice3A, %eq3A : vector<512x2816xf32>
    %jit3A = arith.constant 1073741824 : i32
    %broadcast_in_dim3A_15 = vector.shape_cast %iota3A : vector<1x2816xi32> to vector<1x2816xi32>
    %broadcast_in_dim3A_16 = vector.broadcast %broadcast_in_dim3A_15 : vector<1x2816xi32> to vector<512x2816xi32>
    %broadcast_in_dim3A_17 = vector.broadcast %jit3A : i32 to vector<512x2816xi32>
    %select_n3A = arith.select %eq3A_14, %broadcast_in_dim3A_16, %broadcast_in_dim3A_17 : vector<512x2816xi1>, vector<512x2816xi32>
    %reduce_min3A_18 = arith.constant dense<2147483647> : vector<512xi32>
    %reduce_min3A_19 = vector.multi_reduction <minsi>, %select_n3A, %reduce_min3A_18 [1] : vector<512x2816xi32> to vector<512xi32>
    %slice3A_20 = vector.extract_strided_slice %add3A_12 {offsets = [0, 2816], sizes = [512, 2816], strides = [1, 1]} : vector<512x8448xf32> to vector<512x2816xf32>
    %reduce_min3A_21 = arith.constant dense<0x7F800000> : vector<512xf32>
    %reduce_min3A_22 = vector.multi_reduction <minimumf>, %slice3A_20, %reduce_min3A_21 [1] : vector<512x2816xf32> to vector<512xf32>
    %broadcast_in_dim3A_23 = vector.shape_cast %reduce_min3A_22 : vector<512xf32> to vector<512x1xf32>
    %eq3A_24 = vector.broadcast %broadcast_in_dim3A_23 : vector<512x1xf32> to vector<512x2816xf32>
    %eq3A_25 = arith.cmpf oeq, %slice3A_20, %eq3A_24 : vector<512x2816xf32>
    %jit3A_26 = arith.constant 1073741824 : i32
    %broadcast_in_dim3A_27 = vector.shape_cast %iota3A : vector<1x2816xi32> to vector<1x2816xi32>
    %broadcast_in_dim3A_28 = vector.broadcast %broadcast_in_dim3A_27 : vector<1x2816xi32> to vector<512x2816xi32>
    %broadcast_in_dim3A_29 = vector.broadcast %jit3A_26 : i32 to vector<512x2816xi32>
    %select_n3A_30 = arith.select %eq3A_25, %broadcast_in_dim3A_28, %broadcast_in_dim3A_29 : vector<512x2816xi1>, vector<512x2816xi32>
    %reduce_min3A_31 = arith.constant dense<2147483647> : vector<512xi32>
    %reduce_min3A_32 = vector.multi_reduction <minsi>, %select_n3A_30, %reduce_min3A_31 [1] : vector<512x2816xi32> to vector<512xi32>
    %slice3A_33 = vector.extract_strided_slice %add3A_12 {offsets = [0, 5632], sizes = [512, 2816], strides = [1, 1]} : vector<512x8448xf32> to vector<512x2816xf32>
    %reduce_min3A_34 = arith.constant dense<0x7F800000> : vector<512xf32>
    %reduce_min3A_35 = vector.multi_reduction <minimumf>, %slice3A_33, %reduce_min3A_34 [1] : vector<512x2816xf32> to vector<512xf32>
    %broadcast_in_dim3A_36 = vector.shape_cast %reduce_min3A_35 : vector<512xf32> to vector<512x1xf32>
    %eq3A_37 = vector.broadcast %broadcast_in_dim3A_36 : vector<512x1xf32> to vector<512x2816xf32>
    %eq3A_38 = arith.cmpf oeq, %slice3A_33, %eq3A_37 : vector<512x2816xf32>
    %jit3A_39 = arith.constant 1073741824 : i32
    %broadcast_in_dim3A_40 = vector.shape_cast %iota3A : vector<1x2816xi32> to vector<1x2816xi32>
    %broadcast_in_dim3A_41 = vector.broadcast %broadcast_in_dim3A_40 : vector<1x2816xi32> to vector<512x2816xi32>
    %broadcast_in_dim3A_42 = vector.broadcast %jit3A_39 : i32 to vector<512x2816xi32>
    %select_n3A_43 = arith.select %eq3A_38, %broadcast_in_dim3A_41, %broadcast_in_dim3A_42 : vector<512x2816xi1>, vector<512x2816xi32>
    %reduce_min3A_44 = arith.constant dense<2147483647> : vector<512xi32>
    %reduce_min3A_45 = vector.multi_reduction <minsi>, %select_n3A_43, %reduce_min3A_44 [1] : vector<512x2816xi32> to vector<512xi32>
    %convert_element_type3A = arith.truncf %reduce_min3A_13 : vector<512xf32> to vector<512xbf16>
    %convert_element_type3A_46 = arith.extf %convert_element_type3A : vector<512xbf16> to vector<512xf32>
    %lt3A = arith.cmpf olt, %reduce_min3A_22, %convert_element_type3A_46 : vector<512xf32>
    %add3A_47 = arith.constant 2736 : i32
    %add3A_48 = vector.broadcast %add3A_47 : i32 to vector<512xi32>
    %add3A_49 = arith.addi %reduce_min3A_32, %add3A_48 : vector<512xi32>
    %select_n3A_50 = arith.select %lt3A, %add3A_49, %reduce_min3A_19 : vector<512xi1>, vector<512xi32>
    %select_n3A_51 = arith.select %lt3A, %reduce_min3A_22, %convert_element_type3A_46 : vector<512xi1>, vector<512xf32>
    %convert_element_type3A_52 = arith.truncf %select_n3A_51 : vector<512xf32> to vector<512xbf16>
    %convert_element_type3A_53 = arith.extf %convert_element_type3A_52 : vector<512xbf16> to vector<512xf32>
    %lt3A_54 = arith.cmpf olt, %reduce_min3A_35, %convert_element_type3A_53 : vector<512xf32>
    %add3A_55 = arith.constant 5472 : i32
    %add3A_56 = vector.broadcast %add3A_55 : i32 to vector<512xi32>
    %add3A_57 = arith.addi %reduce_min3A_45, %add3A_56 : vector<512xi32>
    %select_n3A_58 = arith.select %lt3A_54, %add3A_57, %select_n3A_50 : vector<512xi1>, vector<512xi32>
    %swap3A = arith.constant 0 : index
    %swap3A_59 = vector.load %arg5[%swap3A] : memref<512xi32, #tpu.memory_space<vmem>>, vector<512xi32>
    tpu.vector_store %arg5[%swap3A], %select_n3A_58 {strides = array<i32>} : memref<512xi32, #tpu.memory_space<vmem>>, vector<512xi32>,
    return
  }
  func.func @transform_0(%arg0: i32) -> (i32, i32) {
    %add3A = arith.constant 32 : i32
    %add3A_0 = arith.addi %arg0, %add3A : i32
    %c0_i32 = arith.constant 0 : i32
    %c0_i32_1 = arith.constant 0 : i32
    return %add3A_0, %c0_i32 : i32, i32
  }
  func.func @transform_1(%arg0: i32) -> (i32, i32) {
    %c0_i32 = arith.constant 0 : i32
    %c0_i32_0 = arith.constant 0 : i32
    %c0_i32_1 = arith.constant 0 : i32
    return %c0_i32, %c0_i32_0 : i32, i32
  }
  func.func @transform_2(%arg0: i32) -> i32 {
    %add3A = arith.constant 32 : i32
    %add3A_0 = arith.addi %arg0, %add3A : i32
    %c0_i32 = arith.constant 0 : i32
    return %add3A_0 : i32
  }
  func.func @transform_3(%arg0: i32) -> (i32, i32) {
    %c0_i32 = arith.constant 0 : i32
    %c0_i32_0 = arith.constant 0 : i32
    %c0_i32_1 = arith.constant 0 : i32
    return %c0_i32, %c0_i32_0 : i32, i32
  }
  func.func @transform_4(%arg0: i32) -> i32 {
    %c0_i32 = arith.constant 0 : i32
    return %arg0 : i32
  }
}

module attributes {stable_mosaic.version = 14 : i64} {
  func.func @_argmax_body(%arg0: i32, %arg1: memref<512x256xf32, #tpu.memory_space<vmem>>, %arg2: memref<256x8448xf32, #tpu.memory_space<vmem>>, %arg3: memref<512xf32, #tpu.memory_space<vmem>>, %arg4: memref<1x8448xf32, #tpu.memory_space<vmem>>, %arg5: memref<512xi32, #tpu.memory_space<vmem>>) attributes {dimension_semantics = [#tpu.dimension_semantics<arbitrary>], iteration_bounds = array<i64: 32>, scalar_prefetch = 0 : i64, scratch_operands = 0 : i64, tpu.core_type = #tpu.core_type<tc>, window_params = [{transform_indices = @transform_0, window_bounds = array<i64: 512, 256>}, {pipeline_mode = #tpu.pipeline_mode<synchronous>, transform_indices = @transform_1, window_bounds = array<i64: 256, 8448>}, {transform_indices = @transform_2, window_bounds = array<i64: 512>}, {pipeline_mode = #tpu.pipeline_mode<synchronous>, transform_indices = @transform_3, window_bounds = array<i64: 1, 8448>}, {transform_indices = @transform_4, window_bounds = array<i64: 512>}]} {
    %get3A = arith.constant 0 : index
    %get3A_0 = arith.constant 0 : index
    %get3A_1 = vector.load %arg1[%get3A, %get3A_0] : memref<512x256xf32, #tpu.memory_space<vmem>>, vector<512x256xf32>
    %get3A_2 = arith.constant 0 : index
    %get3A_3 = arith.constant 0 : index
    %get3A_4 = vector.load %arg2[%get3A_2, %get3A_3] : memref<256x8448xf32, #tpu.memory_space<vmem>>, vector<256x8448xf32>
    %dot_general3A = arith.constant dense<0.000000e+00> : vector<512x8448xf32>
    %dot_general3A_5 = tpu.matmul %get3A_1, %get3A_4, %dot_general3A {dimension_numbers = #tpu.dot_dimension_numbers<[1], [0], [0], [1], [0, 0, 1, 1], [], []>, transpose_lhs_hint = false} : vector<512x256xf32>, vector<256x8448xf32>, vector<512x8448xf32> -> vector<512x8448xf32>
    %get3A_6 = arith.constant 0 : index
    %get3A_7 = vector.load %arg3[%get3A_6] : memref<512xf32, #tpu.memory_space<vmem>>, vector<512xf32>
    %reshape3A = vector.shape_cast %get3A_7 : vector<512xf32> to vector<512x1xf32>
    %sub3A = vector.broadcast %reshape3A : vector<512x1xf32> to vector<512x8448xf32>
    %sub3A_8 = arith.subf %sub3A, %dot_general3A_5 : vector<512x8448xf32>
    %get3A_9 = arith.constant 0 : index
    %get3A_10 = arith.constant 0 : index
    %get3A_11 = vector.load %arg4[%get3A_9, %get3A_10] : memref<1x8448xf32, #tpu.memory_space<vmem>>, vector<1x8448xf32>
    %add3A = vector.broadcast %get3A_11 : vector<1x8448xf32> to vector<512x8448xf32>
    %add3A_12 = arith.addf %sub3A_8, %add3A : vector<512x8448xf32>
    %iota3A = tpu.iota {dimensions = array<i32: 1>} : vector<1x2816xi32>
    %slice3A = vector.extract_strided_slice %add3A_12 {offsets = [0, 0], sizes = [512, 2816], strides = [1, 1]} : vector<512x8448xf32> to vector<512x2816xf32>
    %reduce_min3A = arith.constant dense<0x7F800000> : vector<512xf32>
    %reduce_min3A_13 = vector.multi_reduction <minimumf>, %slice3A, %reduce_min3A [1] : vector<512x2816xf32> to vector<512xf32>
    %broadcast_in_dim3A = vector.shape_cast %reduce_min3A_13 : vector<512xf32> to vector<512x1xf32>
    %eq3A = vector.broadcast %broadcast_in_dim3A : vector<512x1xf32> to vector<512x2816xf32>
    %eq3A_14 = arith.cmpf oeq, %slice3A, %eq3A : vector<512x2816xf32>
    %jit3A = arith.constant 1073741824 : i32
    %broadcast_in_dim3A_15 = vector.shape_cast %iota3A : vector<1x2816xi32> to vector<1x2816xi32>
    %broadcast_in_dim3A_16 = vector.broadcast %broadcast_in_dim3A_15 : vector<1x2816xi32> to vector<512x2816xi32>
    %broadcast_in_dim3A_17 = vector.broadcast %jit3A : i32 to vector<512x2816xi32>
    %select_n3A = arith.select %eq3A_14, %broadcast_in_dim3A_16, %broadcast_in_dim3A_17 : vector<512x2816xi1>, vector<512x2816xi32>
    %reduce_min3A_18 = arith.constant dense<2147483647> : vector<512xi32>
    %reduce_min3A_19 = vector.multi_reduction <minsi>, %select_n3A, %reduce_min3A_18 [1] : vector<512x2816xi32> to vector<512xi32>
    %slice3A_20 = vector.extract_strided_slice %add3A_12 {offsets = [0, 2816], sizes = [512, 2816], strides = [1, 1]} : vector<512x8448xf32> to vector<512x2816xf32>
    %reduce_min3A_21 = arith.constant dense<0x7F800000> : vector<512xf32>
    %reduce_min3A_22 = vector.multi_reduction <minimumf>, %slice3A_20, %reduce_min3A_21 [1] : vector<512x2816xf32> to vector<512xf32>
    %broadcast_in_dim3A_23 = vector.shape_cast %reduce_min3A_22 : vector<512xf32> to vector<512x1xf32>
    %eq3A_24 = vector.broadcast %broadcast_in_dim3A_23 : vector<512x1xf32> to vector<512x2816xf32>
    %eq3A_25 = arith.cmpf oeq, %slice3A_20, %eq3A_24 : vector<512x2816xf32>
    %jit3A_26 = arith.constant 1073741824 : i32
    %broadcast_in_dim3A_27 = vector.shape_cast %iota3A : vector<1x2816xi32> to vector<1x2816xi32>
    %broadcast_in_dim3A_28 = vector.broadcast %broadcast_in_dim3A_27 : vector<1x2816xi32> to vector<512x2816xi32>
    %broadcast_in_dim3A_29 = vector.broadcast %jit3A_26 : i32 to vector<512x2816xi32>
    %select_n3A_30 = arith.select %eq3A_25, %broadcast_in_dim3A_28, %broadcast_in_dim3A_29 : vector<512x2816xi1>, vector<512x2816xi32>
    %reduce_min3A_31 = arith.constant dense<2147483647> : vector<512xi32>
    %reduce_min3A_32 = vector.multi_reduction <minsi>, %select_n3A_30, %reduce_min3A_31 [1] : vector<512x2816xi32> to vector<512xi32>
    %slice3A_33 = vector.extract_strided_slice %add3A_12 {offsets = [0, 5632], sizes = [512, 2816], strides = [1, 1]} : vector<512x8448xf32> to vector<512x2816xf32>
    %reduce_min3A_34 = arith.constant dense<0x7F800000> : vector<512xf32>
    %reduce_min3A_35 = vector.multi_reduction <minimumf>, %slice3A_33, %reduce_min3A_34 [1] : vector<512x2816xf32> to vector<512xf32>
    %broadcast_in_dim3A_36 = vector.shape_cast %reduce_min3A_35 : vector<512xf32> to vector<512x1xf32>
    %eq3A_37 = vector.broadcast %broadcast_in_dim3A_36 : vector<512x1xf32> to vector<512x2816xf32>
    %eq3A_38 = arith.cmpf oeq, %slice3A_33, %eq3A_37 : vector<512x2816xf32>
    %jit3A_39 = arith.constant 1073741824 : i32
    %broadcast_in_dim3A_40 = vector.shape_cast %iota3A : vector<1x2816xi32> to vector<1x2816xi32>
    %broadcast_in_dim3A_41 = vector.broadcast %broadcast_in_dim3A_40 : vector<1x2816xi32> to vector<512x2816xi32>
    %broadcast_in_dim3A_42 = vector.broadcast %jit3A_39 : i32 to vector<512x2816xi32>
    %select_n3A_43 = arith.select %eq3A_38, %broadcast_in_dim3A_41, %broadcast_in_dim3A_42 : vector<512x2816xi1>, vector<512x2816xi32>
    %reduce_min3A_44 = arith.constant dense<2147483647> : vector<512xi32>
    %reduce_min3A_45 = vector.multi_reduction <minsi>, %select_n3A_43, %reduce_min3A_44 [1] : vector<512x2816xi32> to vector<512xi32>
    %convert_element_type3A = arith.truncf %reduce_min3A_13 : vector<512xf32> to vector<512xbf16>
    %convert_element_type3A_46 = arith.extf %convert_element_type3A : vector<512xbf16> to vector<512xf32>
    %lt3A = arith.cmpf olt, %reduce_min3A_22, %convert_element_type3A_46 : vector<512xf32>
    %add3A_47 = arith.constant 2736 : i32
    %add3A_48 = vector.broadcast %add3A_47 : i32 to vector<512xi32>
    %add3A_49 = arith.addi %reduce_min3A_32, %add3A_48 : vector<512xi32>
    %select_n3A_50 = arith.select %lt3A, %add3A_49, %reduce_min3A_19 : vector<512xi1>, vector<512xi32>
    %select_n3A_51 = arith.select %lt3A, %reduce_min3A_22, %convert_element_type3A_46 : vector<512xi1>, vector<512xf32>
    %convert_element_type3A_52 = arith.truncf %select_n3A_51 : vector<512xf32> to vector<512xbf16>
    %convert_element_type3A_53 = arith.extf %convert_element_type3A_52 : vector<512xbf16> to vector<512xf32>
    %lt3A_54 = arith.cmpf olt, %reduce_min3A_35, %convert_element_type3A_53 : vector<512xf32>
    %add3A_55 = arith.constant 5472 : i32
    %add3A_56 = vector.broadcast %add3A_55 : i32 to vector<512xi32>
    %add3A_57 = arith.addi %reduce_min3A_45, %add3A_56 : vector<512xi32>
    %select_n3A_58 = arith.select %lt3A_54, %add3A_57, %select_n3A_50 : vector<512xi1>, vector<512xi32>
    %swap3A = arith.constant 0 : index
    %swap3A_59 = vector.load %arg5[%swap3A] : memref<512xi32, #tpu.memory_space<vmem>>, vector<512xi32>
    tpu.vector_store %arg5[%swap3A], %select_n3A_58 {strides = array<i32>} : memref<512xi32, #tpu.memory_space<vmem>>, vector<512xi32>,
    return
  }
  func.func @transform_0(%arg0: i32) -> (i32, i32) {
    %add3A = arith.constant 64 : i32
    %add3A_0 = arith.addi %arg0, %add3A : i32
    %c0_i32 = arith.constant 0 : i32
    %c0_i32_1 = arith.constant 0 : i32
    return %add3A_0, %c0_i32 : i32, i32
  }
  func.func @transform_1(%arg0: i32) -> (i32, i32) {
    %c0_i32 = arith.constant 0 : i32
    %c0_i32_0 = arith.constant 0 : i32
    %c0_i32_1 = arith.constant 0 : i32
    return %c0_i32, %c0_i32_0 : i32, i32
  }
  func.func @transform_2(%arg0: i32) -> i32 {
    %add3A = arith.constant 64 : i32
    %add3A_0 = arith.addi %arg0, %add3A : i32
    %c0_i32 = arith.constant 0 : i32
    return %add3A_0 : i32
  }
  func.func @transform_3(%arg0: i32) -> (i32, i32) {
    %c0_i32 = arith.constant 0 : i32
    %c0_i32_0 = arith.constant 0 : i32
    %c0_i32_1 = arith.constant 0 : i32
    return %c0_i32, %c0_i32_0 : i32, i32
  }
  func.func @transform_4(%arg0: i32) -> i32 {
    %c0_i32 = arith.constant 0 : i32
    return %arg0 : i32
  }
}

module attributes {stable_mosaic.version = 14 : i64} {
  func.func @_argmax_body(%arg0: i32, %arg1: memref<512x256xf32, #tpu.memory_space<vmem>>, %arg2: memref<256x8448xf32, #tpu.memory_space<vmem>>, %arg3: memref<512xf32, #tpu.memory_space<vmem>>, %arg4: memref<1x8448xf32, #tpu.memory_space<vmem>>, %arg5: memref<512xi32, #tpu.memory_space<vmem>>) attributes {dimension_semantics = [#tpu.dimension_semantics<arbitrary>], iteration_bounds = array<i64: 32>, scalar_prefetch = 0 : i64, scratch_operands = 0 : i64, tpu.core_type = #tpu.core_type<tc>, window_params = [{transform_indices = @transform_0, window_bounds = array<i64: 512, 256>}, {pipeline_mode = #tpu.pipeline_mode<synchronous>, transform_indices = @transform_1, window_bounds = array<i64: 256, 8448>}, {transform_indices = @transform_2, window_bounds = array<i64: 512>}, {pipeline_mode = #tpu.pipeline_mode<synchronous>, transform_indices = @transform_3, window_bounds = array<i64: 1, 8448>}, {transform_indices = @transform_4, window_bounds = array<i64: 512>}]} {
    %get3A = arith.constant 0 : index
    %get3A_0 = arith.constant 0 : index
    %get3A_1 = vector.load %arg1[%get3A, %get3A_0] : memref<512x256xf32, #tpu.memory_space<vmem>>, vector<512x256xf32>
    %get3A_2 = arith.constant 0 : index
    %get3A_3 = arith.constant 0 : index
    %get3A_4 = vector.load %arg2[%get3A_2, %get3A_3] : memref<256x8448xf32, #tpu.memory_space<vmem>>, vector<256x8448xf32>
    %dot_general3A = arith.constant dense<0.000000e+00> : vector<512x8448xf32>
    %dot_general3A_5 = tpu.matmul %get3A_1, %get3A_4, %dot_general3A {dimension_numbers = #tpu.dot_dimension_numbers<[1], [0], [0], [1], [0, 0, 1, 1], [], []>, transpose_lhs_hint = false} : vector<512x256xf32>, vector<256x8448xf32>, vector<512x8448xf32> -> vector<512x8448xf32>
    %get3A_6 = arith.constant 0 : index
    %get3A_7 = vector.load %arg3[%get3A_6] : memref<512xf32, #tpu.memory_space<vmem>>, vector<512xf32>
    %reshape3A = vector.shape_cast %get3A_7 : vector<512xf32> to vector<512x1xf32>
    %sub3A = vector.broadcast %reshape3A : vector<512x1xf32> to vector<512x8448xf32>
    %sub3A_8 = arith.subf %sub3A, %dot_general3A_5 : vector<512x8448xf32>
    %get3A_9 = arith.constant 0 : index
    %get3A_10 = arith.constant 0 : index
    %get3A_11 = vector.load %arg4[%get3A_9, %get3A_10] : memref<1x8448xf32, #tpu.memory_space<vmem>>, vector<1x8448xf32>
    %add3A = vector.broadcast %get3A_11 : vector<1x8448xf32> to vector<512x8448xf32>
    %add3A_12 = arith.addf %sub3A_8, %add3A : vector<512x8448xf32>
    %iota3A = tpu.iota {dimensions = array<i32: 1>} : vector<1x2816xi32>
    %slice3A = vector.extract_strided_slice %add3A_12 {offsets = [0, 0], sizes = [512, 2816], strides = [1, 1]} : vector<512x8448xf32> to vector<512x2816xf32>
    %reduce_min3A = arith.constant dense<0x7F800000> : vector<512xf32>
    %reduce_min3A_13 = vector.multi_reduction <minimumf>, %slice3A, %reduce_min3A [1] : vector<512x2816xf32> to vector<512xf32>
    %broadcast_in_dim3A = vector.shape_cast %reduce_min3A_13 : vector<512xf32> to vector<512x1xf32>
    %eq3A = vector.broadcast %broadcast_in_dim3A : vector<512x1xf32> to vector<512x2816xf32>
    %eq3A_14 = arith.cmpf oeq, %slice3A, %eq3A : vector<512x2816xf32>
    %jit3A = arith.constant 1073741824 : i32
    %broadcast_in_dim3A_15 = vector.shape_cast %iota3A : vector<1x2816xi32> to vector<1x2816xi32>
    %broadcast_in_dim3A_16 = vector.broadcast %broadcast_in_dim3A_15 : vector<1x2816xi32> to vector<512x2816xi32>
    %broadcast_in_dim3A_17 = vector.broadcast %jit3A : i32 to vector<512x2816xi32>
    %select_n3A = arith.select %eq3A_14, %broadcast_in_dim3A_16, %broadcast_in_dim3A_17 : vector<512x2816xi1>, vector<512x2816xi32>
    %reduce_min3A_18 = arith.constant dense<2147483647> : vector<512xi32>
    %reduce_min3A_19 = vector.multi_reduction <minsi>, %select_n3A, %reduce_min3A_18 [1] : vector<512x2816xi32> to vector<512xi32>
    %slice3A_20 = vector.extract_strided_slice %add3A_12 {offsets = [0, 2816], sizes = [512, 2816], strides = [1, 1]} : vector<512x8448xf32> to vector<512x2816xf32>
    %reduce_min3A_21 = arith.constant dense<0x7F800000> : vector<512xf32>
    %reduce_min3A_22 = vector.multi_reduction <minimumf>, %slice3A_20, %reduce_min3A_21 [1] : vector<512x2816xf32> to vector<512xf32>
    %broadcast_in_dim3A_23 = vector.shape_cast %reduce_min3A_22 : vector<512xf32> to vector<512x1xf32>
    %eq3A_24 = vector.broadcast %broadcast_in_dim3A_23 : vector<512x1xf32> to vector<512x2816xf32>
    %eq3A_25 = arith.cmpf oeq, %slice3A_20, %eq3A_24 : vector<512x2816xf32>
    %jit3A_26 = arith.constant 1073741824 : i32
    %broadcast_in_dim3A_27 = vector.shape_cast %iota3A : vector<1x2816xi32> to vector<1x2816xi32>
    %broadcast_in_dim3A_28 = vector.broadcast %broadcast_in_dim3A_27 : vector<1x2816xi32> to vector<512x2816xi32>
    %broadcast_in_dim3A_29 = vector.broadcast %jit3A_26 : i32 to vector<512x2816xi32>
    %select_n3A_30 = arith.select %eq3A_25, %broadcast_in_dim3A_28, %broadcast_in_dim3A_29 : vector<512x2816xi1>, vector<512x2816xi32>
    %reduce_min3A_31 = arith.constant dense<2147483647> : vector<512xi32>
    %reduce_min3A_32 = vector.multi_reduction <minsi>, %select_n3A_30, %reduce_min3A_31 [1] : vector<512x2816xi32> to vector<512xi32>
    %slice3A_33 = vector.extract_strided_slice %add3A_12 {offsets = [0, 5632], sizes = [512, 2816], strides = [1, 1]} : vector<512x8448xf32> to vector<512x2816xf32>
    %reduce_min3A_34 = arith.constant dense<0x7F800000> : vector<512xf32>
    %reduce_min3A_35 = vector.multi_reduction <minimumf>, %slice3A_33, %reduce_min3A_34 [1] : vector<512x2816xf32> to vector<512xf32>
    %broadcast_in_dim3A_36 = vector.shape_cast %reduce_min3A_35 : vector<512xf32> to vector<512x1xf32>
    %eq3A_37 = vector.broadcast %broadcast_in_dim3A_36 : vector<512x1xf32> to vector<512x2816xf32>
    %eq3A_38 = arith.cmpf oeq, %slice3A_33, %eq3A_37 : vector<512x2816xf32>
    %jit3A_39 = arith.constant 1073741824 : i32
    %broadcast_in_dim3A_40 = vector.shape_cast %iota3A : vector<1x2816xi32> to vector<1x2816xi32>
    %broadcast_in_dim3A_41 = vector.broadcast %broadcast_in_dim3A_40 : vector<1x2816xi32> to vector<512x2816xi32>
    %broadcast_in_dim3A_42 = vector.broadcast %jit3A_39 : i32 to vector<512x2816xi32>
    %select_n3A_43 = arith.select %eq3A_38, %broadcast_in_dim3A_41, %broadcast_in_dim3A_42 : vector<512x2816xi1>, vector<512x2816xi32>
    %reduce_min3A_44 = arith.constant dense<2147483647> : vector<512xi32>
    %reduce_min3A_45 = vector.multi_reduction <minsi>, %select_n3A_43, %reduce_min3A_44 [1] : vector<512x2816xi32> to vector<512xi32>
    %convert_element_type3A = arith.truncf %reduce_min3A_13 : vector<512xf32> to vector<512xbf16>
    %convert_element_type3A_46 = arith.extf %convert_element_type3A : vector<512xbf16> to vector<512xf32>
    %lt3A = arith.cmpf olt, %reduce_min3A_22, %convert_element_type3A_46 : vector<512xf32>
    %add3A_47 = arith.constant 2736 : i32
    %add3A_48 = vector.broadcast %add3A_47 : i32 to vector<512xi32>
    %add3A_49 = arith.addi %reduce_min3A_32, %add3A_48 : vector<512xi32>
    %select_n3A_50 = arith.select %lt3A, %add3A_49, %reduce_min3A_19 : vector<512xi1>, vector<512xi32>
    %select_n3A_51 = arith.select %lt3A, %reduce_min3A_22, %convert_element_type3A_46 : vector<512xi1>, vector<512xf32>
    %convert_element_type3A_52 = arith.truncf %select_n3A_51 : vector<512xf32> to vector<512xbf16>
    %convert_element_type3A_53 = arith.extf %convert_element_type3A_52 : vector<512xbf16> to vector<512xf32>
    %lt3A_54 = arith.cmpf olt, %reduce_min3A_35, %convert_element_type3A_53 : vector<512xf32>
    %add3A_55 = arith.constant 5472 : i32
    %add3A_56 = vector.broadcast %add3A_55 : i32 to vector<512xi32>
    %add3A_57 = arith.addi %reduce_min3A_45, %add3A_56 : vector<512xi32>
    %select_n3A_58 = arith.select %lt3A_54, %add3A_57, %select_n3A_50 : vector<512xi1>, vector<512xi32>
    %swap3A = arith.constant 0 : index
    %swap3A_59 = vector.load %arg5[%swap3A] : memref<512xi32, #tpu.memory_space<vmem>>, vector<512xi32>
    tpu.vector_store %arg5[%swap3A], %select_n3A_58 {strides = array<i32>} : memref<512xi32, #tpu.memory_space<vmem>>, vector<512xi32>,
    return
  }
  func.func @transform_0(%arg0: i32) -> (i32, i32) {
    %add3A = arith.constant 96 : i32
    %add3A_0 = arith.addi %arg0, %add3A : i32
    %c0_i32 = arith.constant 0 : i32
    %c0_i32_1 = arith.constant 0 : i32
    return %add3A_0, %c0_i32 : i32, i32
  }
  func.func @transform_1(%arg0: i32) -> (i32, i32) {
    %c0_i32 = arith.constant 0 : i32
    %c0_i32_0 = arith.constant 0 : i32
    %c0_i32_1 = arith.constant 0 : i32
    return %c0_i32, %c0_i32_0 : i32, i32
  }
  func.func @transform_2(%arg0: i32) -> i32 {
    %add3A = arith.constant 96 : i32
    %add3A_0 = arith.addi %arg0, %add3A : i32
    %c0_i32 = arith.constant 0 : i32
    return %add3A_0 : i32
  }
  func.func @transform_3(%arg0: i32) -> (i32, i32) {
    %c0_i32 = arith.constant 0 : i32
    %c0_i32_0 = arith.constant 0 : i32
    %c0_i32_1 = arith.constant 0 : i32
    return %c0_i32, %c0_i32_0 : i32, i32
  }
  func.func @transform_4(%arg0: i32) -> i32 {
    %c0_i32 = arith.constant 0 : i32
    return %arg0 : i32
  }
}

module attributes {stable_mosaic.version = 14 : i64} {
  func.func @_perp_body(%arg0: memref<128x8192xi32, #tpu.memory_space<vmem>>, %arg1: memref<1x1xf32, #tpu.memory_space<vmem>>) attributes {dimension_semantics = [], scalar_prefetch = 0 : i64, scratch_operands = 0 : i64, tpu.core_type = #tpu.core_type<tc>} {
    %get3A = arith.constant 0 : index
    %get3A_0 = arith.constant 0 : index
    %get3A_1 = vector.load %arg0[%get3A, %get3A_0] : memref<128x8192xi32, #tpu.memory_space<vmem>>, vector<128x8192xi32>
    %convert_element_type3A = arith.sitofp %get3A_1 : vector<128x8192xi32> to vector<128x8192xf32>
    %reduce_sum3A = arith.constant dense<0.000000e+00> : vector<8192xf32>
    %reduce_sum3A_2 = vector.multi_reduction <add>, %convert_element_type3A, %reduce_sum3A [0] : vector<128x8192xf32> to vector<8192xf32>
    %broadcast_in_dim3A = vector.shape_cast %reduce_sum3A_2 : vector<8192xf32> to vector<1x8192xf32>
    %mul3A = arith.constant 1.52587891E-5 : f32
    %mul3A_3 = vector.broadcast %mul3A : f32 to vector<1x8192xf32>
    %mul3A_4 = arith.mulf %broadcast_in_dim3A, %mul3A_3 : vector<1x8192xf32>
    %add3A = arith.constant 1.000000e-10 : f32
    %add3A_5 = vector.broadcast %add3A : f32 to vector<1x8192xf32>
    %add3A_6 = arith.addf %mul3A_4, %add3A_5 : vector<1x8192xf32>
    %log3A = math.log %add3A_6 : vector<1x8192xf32>
    %mul3A_7 = arith.mulf %mul3A_4, %log3A : vector<1x8192xf32>
    %reduce_sum3A_8 = arith.constant dense<0.000000e+00> : vector<1xf32>
    %reduce_sum3A_9 = vector.multi_reduction <add>, %mul3A_7, %reduce_sum3A_8 [1] : vector<1x8192xf32> to vector<1xf32>
    %broadcast_in_dim3A_10 = vector.shape_cast %reduce_sum3A_9 : vector<1xf32> to vector<1x1xf32>
    %neg3A = arith.constant 0.000000e+00 : f32
    %neg3A_11 = vector.broadcast %neg3A : f32 to vector<1x1xf32>
    %neg3A_12 = arith.subf %neg3A_11, %broadcast_in_dim3A_10 : vector<1x1xf32>
    %exp3A = math.exp %neg3A_12 : vector<1x1xf32>
    %swap3A = arith.constant 0 : index
    %swap3A_13 = arith.constant 0 : index
    %swap3A_14 = vector.load %arg1[%swap3A, %swap3A_13] : memref<1x1xf32, #tpu.memory_space<vmem>>, vector<1x1xf32>
    tpu.vector_store %arg1[%swap3A, %swap3A_13], %exp3A {strides = array<i32>} : memref<1x1xf32, #tpu.memory_space<vmem>>, vector<1x1xf32>,
    return
  }
}

</mosaic_0001>

<sc_bundles>
// kernel: kernel.11.cloned.1.call-start
scs
__scs_entry_jumppad:
0x0: {  	(pc) =	sbr.rel $0x88, $3  }
0x1: {  	(tag) =	ssettag $0x0;
	lr =	simm.s32 $0x1  }
0x2: {  	[smem:$0x3F9F] =	sst lr;
	_ =	strace $0xD0000000  }
0x3: {  	_ = 	snop  }
0x4: {  	_ = 	snop  }
0x5: {  	_ = 	snop  }
0x6: {  	_ = 	snop  }
0x7: {  	_ = 	snop  }
__scs_overlays_trampoline_lowered:
0x8: {  	[smem:$0x3FAE] =	sst s0  }
0x9: {  	[smem:$0x3FAF] =	sst s1  }
0xa: {  	[smem:$0x3FB0] =	sst s2  }
0xb: {  	[smem:$0x3FB1] =	sst s3  }
0xc: {  	[smem:$0x3FB2] =	sst s4  }
0xd: {  	[smem:$0x3FB3] =	sst s5  }
0xe: {  	[smem:$0x3FB4] =	sst s6  }
0xf: {  	[smem:$0x3FB5] =	sst s7  }
0x10: {  	[smem:$0x3FB6] =	sst s8  }
0x11: {  	[smem:$0x3FB7] =	sst s9;
	s0 =	simm.s32 @!p0 $0x0  }
0x12: {  	s1 =	sld [smem:$0x3F9D];
	s0 =	simm.s32 @p0 $0x1  }
0x13: {  	[smem:$0x3FB8] =	sst s0;
	s0 =	simm.s32 @!p1 $0x0  }
0x14: {  	s2 =	sld [smem:$0x3F9C];
	s0 =	simm.s32 @p1 $0x1  }
0x15: {  	[smem:$0x3FB9] =	sst s0;
	s0 =	simm.s32 @!p2 $0x0  }
0x16: {  	s3 =	sld [smem:$0x3FDB];
	s0 =	simm.s32 @p2 $0x1  }
0x17: {  	s4 =	simm.s32 $0x1BF5;
	[smem:$0x3FBB] =	sst s0  }
0x18: {  	s0 =	sld [smem:$0x3F9E];
	_ =	swait.ge [sflag:s4], $0x0  }
0x19: {  	s7 =	sld [smem:$0x3F9F]  }
0x1a: {  	s8 =	sadd.s32 $0xFFFFE003, lr  }
0x1b: {  	s9 =	sadd.s32 $0xFFFFFEF7, lr;
	s5 =	simm.s32 $0xFFFFFFFF;
	p2 =	slt.u32 s8, $0xFFFFF086  }
0x1c: {  	p1 =	slt.u32 s9, $0xF7A;
	s5 =	simm.s32 @!p2 $0x0  }
0x1d: {  	s5 =	simm.s32 @p1 $0x1;
	p0 =	seq.s32 s7, s2  }
0x1e: {  	s7 =	smul.u32 @!p0 $0xF7A, s2;
	p2 =	seq.s32 @!p0 s5, $0x0  }
0x1f: {  	s9 =	smul.u32 $0xF7A, s1;
	s8 =	simm.s32 @!p0 $0x1BF5;
	p2 =	por !p2, p0  }
0x20: {  	[sflag:s8] =	ssyncset.s32 @!p0 $0xFFFFF086;
	s6 =	sadd.s32 @!p0 s3, s7;
	s7 =	simm.s32 @!p0 $0x108  }
0x21: {  	s3 =	sadd.s32 s3, s9;
	s6 =	sadd.s32 @!p0 $0x88, s6;
	s7 =	simm.s32 @p2 $0x1082  }
0x22: {  	[simem:s7], [sflag:s8] =	dma.local @!p0 [hbm:s6], $0xF7A  }
0x23: {  	s9 =	sor.u32 $0xD0000000, s2;
	s6 =	simm.s32 $0x108;
	_ =	swait.ge @!p0 [sflag:s8], $0x0  }
0x24: {  	s3 =	sadd.s32 $0x88, s3;
	s6 =	simm.s32 @!p1 $0x1082;
	[sflag:s4] =	ssyncset.s32 $0xFFFFF086  }
0x25: {  	[simem:s6], [sflag:s4] =	dma.local [hbm:s3], $0xF7A  }
0x26: {  	[smem:$0x3F9F] =	sst s1;
	(tag) =	ssettag s2;
	_ =	strace s9  }
0x27: {  	s1 =	sld [smem:$0x3FAF]  }
0x28: {  	s2 =	sld [smem:$0x3FB0]  }
0x29: {  	s4 =	sld [smem:$0x3FB2]  }
0x2a: {  	p0 =	seq.s32 s5, $0x0;
	s5 =	sld [smem:$0x3FB3]  }
0x2b: {  	s6 =	sld [smem:$0x3FB4]  }
0x2c: {  	s7 =	sld [smem:$0x3FB5]  }
0x2d: {  	s3 =	simm.s32 $0x108;
	s8 =	sld [smem:$0x3FB6]  }
0x2e: {  	s3 =	simm.s32 @!p0 $0x1082;
	s9 =	sld [smem:$0x3FB7]  }
0x2f: {  	lr =	sadd.s32 s0, s3;
	s0 =	sld [smem:$0x3FAE]  }
0x30: {  	s3 =	sld [smem:$0x3FB1]  }
0x31: {  	[smem:$0x3FBA] =	sst s10  }
0x32: {  	s10 =	sld [smem:$0x3FB8];
	_ =	sdelay $0x3  }
0x33: {  	p0 =	seq.s32 s10, $0x1;
	s10 =	sld [smem:$0x3FBA];
	_ =	sdelay $0x3  }
0x34: {  	[smem:$0x3FBA] =	sst s10  }
0x35: {  	s10 =	sld [smem:$0x3FB9];
	_ =	sdelay $0x3  }
0x36: {  	p1 =	seq.s32 s10, $0x1;
	s10 =	sld [smem:$0x3FBA];
	_ =	sdelay $0x3  }
0x37: {  	[smem:$0x3FBA] =	sst s10  }
0x38: {  	s10 =	sld [smem:$0x3FBB]  }
0x39: {  	_ = 	snop;
	(pc) =	sbr.ind lr, $3  }
0x3a: {  	_ = 	snop  }
0x3b: {  	_ = 	snop  }
0x3c: {  	p2 =	seq.s32 s10, $0x1;
	s10 =	sld [smem:$0x3FBA]  }
0x3d: {  	_ =	shalt  }
0x3e: {  	_ =	shalt  }
0x3f: {  	_ =	shalt  }
0x40: {  	_ =	shalt  }
0x41: {  	_ =	shalt  }
0x42: {  	_ =	shalt  }
0x43: {  	_ =	shalt  }
0x44: {  	_ =	shalt  }
0x45: {  	_ =	shalt  }
0x46: {  	_ =	shalt  }
0x47: {  	_ =	shalt  }
0x48: {  	_ =	shalt  }
0x49: {  	_ =	shalt  }
0x4a: {  	_ =	shalt  }
0x4b: {  	_ =	shalt  }
0x4c: {  	_ =	shalt  }
0x4d: {  	_ =	shalt  }
0x4e: {  	_ =	shalt  }
0x4f: {  	_ =	shalt  }
0x50: {  	_ =	shalt  }
0x51: {  	_ =	shalt  }
0x52: {  	_ =	shalt  }
0x53: {  	_ =	shalt  }
0x54: {  	_ =	shalt  }
0x55: {  	_ =	shalt  }
0x56: {  	_ =	shalt  }
0x57: {  	_ =	shalt  }
0x58: {  	_ =	shalt  }
0x59: {  	_ =	shalt  }
0x5a: {  	_ =	shalt  }
0x5b: {  	_ =	shalt  }
0x5c: {  	_ =	shalt  }
0x5d: {  	_ =	shalt  }
0x5e: {  	_ =	shalt  }
0x5f: {  	_ =	shalt  }
0x60: {  	_ =	shalt  }
0x61: {  	_ =	shalt  }
0x62: {  	_ =	shalt  }
0x63: {  	_ =	shalt  }
0x64: {  	_ =	shalt  }
0x65: {  	_ =	shalt  }
0x66: {  	_ =	shalt  }
0x67: {  	_ =	shalt  }
0x68: {  	_ =	shalt  }
0x69: {  	_ =	shalt  }
0x6a: {  	_ =	shalt  }
0x6b: {  	_ =	shalt  }
0x6c: {  	_ =	shalt  }
0x6d: {  	_ =	shalt  }
0x6e: {  	_ =	shalt  }
0x6f: {  	_ =	shalt  }
0x70: {  	_ =	shalt  }
0x71: {  	_ =	shalt  }
0x72: {  	_ =	shalt  }
0x73: {  	_ =	shalt  }
0x74: {  	_ =	shalt  }
0x75: {  	_ =	shalt  }
0x76: {  	_ =	shalt  }
0x77: {  	_ =	shalt  }
0x78: {  	_ =	shalt  }
0x79: {  	_ =	shalt  }
0x7a: {  	_ =	shalt  }
0x7b: {  	_ =	shalt  }
0x7c: {  	_ =	shalt  }
0x7d: {  	_ =	shalt  }
0x7e: {  	_ =	shalt  }
0x7f: {  	_ =	shalt  }
0x80: {  	_ =	shalt  }
0x81: {  	_ =	shalt  }
0x82: {  	_ =	shalt  }
0x83: {  	_ =	shalt  }
0x84: {  	_ =	shalt  }
0x85: {  	_ =	shalt  }
0x86: {  	_ =	shalt  }
0x87: {  	_ =	shalt  }
.Lfunc_end0:
.L_simem_size_0:
called_computation_lowered:
.L_overlay_start_0:
0x88: {  	s2 =	sld [smem:$0x3FD9]  }
0x89: {  	s3 =	sld [smem:$0x3FFE];
	_ =	sdelay $0x1  }
0x8a: {  	s1 =	srdreg.scid  }
0x8b: {  	s0 =	sand.u32 $0x1, s1  }
0x8c: {  	s17 =	sshll.u32 s0, $0xA;
	s2 =	sadd.s32 s3, s2  }
0x8d: {  	s2 =	sadd.s32 s2, s17  }
0x8e: {  	[smem:$0x3FC6] =	sst s2  }
0x8f: {  	_ = 	snop  }
0x90: {  	s2 =	sld [smem:$0x3FC8];
	(tm) =	ssettm $0x1  }
0x91: {  	s18 =	sld [smem:$0x3FFB];
	_ =	sdelay $0x3  }
0x92: {  	_ =	strace s18  }
0x93: {  	s3 =	sld [smem:$0x3FFC];
	_ =	sdelay $0x3  }
0x94: {  	_ =	strace s3  }
0x95: {  	s3 =	sld [smem:$0x3FFD];
	_ =	sdelay $0x3  }
0x96: {  	_ =	strace s3  }
0x97: {  	_ =	strace $0x8FFFFFFF  }
0x98: {  	s19 =	sld [smem:$0x3FDB];
	_ =	sdelay $0x1  }
0x99: {  	s4 =	simm.s32 $_scs_section_size  }
0x9a: {  	s5 =	simm.s32 $_size__tile_overlayer_lowered;
	s6 =	simm.s32 $_tile_overlayer_lowered  }
0x9b: {  	s22 =	simm.s32 $0x1BFF;
	s21 =	sshll.u32 s6, $0x1;
	s3 =	sadd.s32 s4, s19  }
0x9c: {  	s7 =	simm.s32 $0x0;
	s20 =	sshll.u32 s5, $0x1;
	s5 =	sadd.s32 s21, s3  }
0x9d: {  	[timem:s7], [sflag:s22] =	dma.local [hbm:s5], s20  }
0x9e: {  	_ =	swait.ge [sflag:s22], s20  }
0x9f: {  	s4 =	ssub.s32 $0x0, s20;
	[sflag:s22] =	ssyncset.done $0x0  }
0xa0: {  	[sflag:s22] =	ssyncadd.s32 s4;
	_ =	sdelay $0x1  }
0xa1: {  	s23 =	simm.s32 $0x1B8B  }
0xa2: {  	_ =	swait.ge [sflag:s23], $0x1  }
0xa3: {  	[sflag:s23] =	ssyncset.done $0x0  }
0xa4: {  	s25 =	simm.s32 $0x1B8E;
	s24 =	sld [smem:$0x3FFE];
	[sflag:s23] =	ssyncadd.s32 $0xFFFFFFFF  }
0xa5: {  	s26 =	simm.s32 $execute0_lowered;
	[smem:$0x3FD2] =	sst s25  }
0xa6: {  	s5 =	sshll.u32 s26, $0x1;
	_ =	strace $0x80000046;
	[dreg:$0x1] =	wrdreg $0xFFFFFFFF  }
0xa7: {  	s28 =	simm.s32 $_size_execute0_lowered;
	s3 =	sadd.s32 s3, s5;
	[dreg:$0x0] =	wrdreg $0x0  }
0xa8: {  	s5 =	sshll.u32 s28, $0x1;
	[dreg:$0x2] =	wrdreg s3  }
0xa9: {  	[dreg:$0x3] =	wrdreg s5  }
0xaa: {  	[dreg:$0x4] =	wrdreg $0xC0  }
0xab: {  	_ =	task [dreg:s7], $0x5FFFF  }
0xac: {  	[dreg:$0x1] =	wrdreg $0xFFFFFFFF  }
0xad: {  	[dreg:$0x0] =	wrdreg $0x60  }
0xae: {  	[dreg:$0x2] =	wrdreg s24  }
0xaf: {  	[dreg:$0x3] =	wrdreg s2  }
0xb0: {  	[dreg:$0x4] =	wrdreg $0x9  }
0xb1: {  	_ =	task.clear_ibuf [dreg:s7], $0x5FFFF;
	_ =	strace $0x90000046  }
0xb2: {  	s29 =	simm.s32 $0x9;
	_ =	strace $0x80000048  }
0xb3: {  	_ =	swait.ge [sflag:s29], $0x1  }
0xb4: {  	[sflag:s29] =	ssyncadd.s32 $0xFFFFFFFF  }
0xb5: {  	_ =	strace $0x90000048  }
0xb6: {  	_ =	sfence  }
0xb7: {  	s30 =	sld [smem:$0x0];
	_ =	sdelay $0x2  }
0xb8: {  	s31 =	sshll.u32 s1, $0xD;
	s1 =	sshrl.u32 s1, $0x2  }
0xb9: {  	s3 =	sand.u32 $0x4000, s31;
	s1 =	sadd.s32 s1, s30  }
0xba: {  	s0 =	sor.u32 s3, s0;
	s1 =	sshll.u32 s1, $0x11  }
0xbb: {  	s0 =	sor.u32 s1, s0  }
0xbc: {  	s0 =	sadd.s32 $0x8F2B, s0  }
0xbd: {  	[sflag:s0] =	ssyncadd.remote.s32 $0x1  }
0xbe: {  	_ =	sfence.sel $0xFFFF  }
0xbf: {  	[dreg:$0x0] =	wrdreg $0xFFFFFFFF;
	(pc) =	sbr.abs _section_cstart, $3  }
0xc0: {  	[dreg:$0x1] =	wrdreg $0xFFFFFFFF  }
0xc1: {  	_ =	task.clear_ibuf [dreg:s7], $0x2FFFF;
	_ =	strace $0x9FFFFFFF  }
0xc2: {  	(tm) =	ssettm $0x7FFFFFFF  }
0xc3: {  	_ =	shalt  }
tec
execute0_lowered:
.L_overlay_start_1:
0x0: {  	(tag) =	ssettag $0x1  }
0x1: {  	s0 =	rddreg [dreg:$0x0]  }
0x2: {  	s1 =	rddreg [dreg:$0x1]  }
0x3: {  	s2 =	simm.s32 $0x0;
	s3 =	srdreg.scid;
	s23 =	stileid.u32  }
0x4: {  	s11 =	simm.s32 $0x1200;
	s12 =	simm.s32 $0x1A00;
	s13 =	simm.s32 $0x2200  }
0x5: {  	s14 =	simm.s32 $0x2A00;
	s15 =	simm.s32 $0x3200;
	s16 =	simm.s32 $0x3A00  }
0x6: {  	s17 =	simm.s32 $0x4200;
	s18 =	simm.s32 $0x4A00;
	s19 =	simm.s32 $0x5200  }
0x7: {  	s20 =	simm.s32 $0x5A00;
	s21 =	simm.s32 $0x6200;
	s22 =	simm.s32 $0x6A00  }
0x8: {  	s28 =	simm.s32 $0x80;
	s29 =	simm.s32 $0x400;
	s30 =	simm.s32 $0x0  }
0x9: {  	[smem:$0x7FF] =	sst s2;
	s4 =	sand.u32 $0x1, s3;
	s6 =	sshll.u32 s23, $0xF  }
0xa: {  	s7 =	sshll.u32 s23, $0xB;
	s9 =	sshll.u32 s23, $0x5;
	s25 =	sshll.u32 s23, $0x7  }
0xb: {  	s23 =	simm.s32 $0x7200;
	_ =	strace $0x80000047;
	s5 =	sshll.u32 s4, $0x6  }
0xc: {  	s6 =	sadd.s32 s6, s0;
	s7 =	sand.u32 $0x6000, s7;
	s8 =	ssub.s32 $0x2, s4  }
0xd: {  	s10 =	sshll.u32 s4, $0x4;
	s26 =	sshll.u32 s4, $0xE;
	s5 =	sadd.s32 s5, s0  }
0xe: {  	s0 =	sadd.s32 s7, s0;
	s24 =	sshrl.u32 s8, $0x1;
	s9 =	sor.u32 s10, s9  }
0xf: {  	s31 =	sadd.s32 s26, s6;
	s10 =	simm.s32 $0xA00;
	s26 =	simm.s32 $0x8200  }
0x10: {  	s7 =	ssub.s32 s8, s24;
	s9 =	sand.u32 $0x70, s9;
	s5 =	sadd.s32 s25, s5  }
0x11: {  	v0 =	vimm.s32 $0x0;
	v4 =	vlaneseq.u32;
	s8 =	simm.s32 $0x2;
	s24 =	simm.s32 $0x7A00;
	s25 =	simm.s32 $0x1  }
0x12: {  	v1 =	vimm.s32 $0x1;
	vm0 =	vmmov $0xffff;
	v3 =	vshrl.u32 v4, $0x3;
	s0 =	sadd.s32 s9, s0;
	s4 =	sadd.s32 $0x2200, s5;
	s6 =	smax.u32 s7, $0x1  }
0x13: {  	v2 =	vand.u32 $0x7, v4;
	v4 =	vor.u32 $0x8, v4;
	v3 =	vmul.u32 $0x8, v3;
	s7 =	sadd.s32 $0xAA00, s31;
	s9 =	simm.s32 $0x200;
	s5 =	sadd.s32 $0x2A00, s0  }
.LBB2_1:
0x14: {  	[tilespmem:s2], [sflag:$0x2] =	stream.linear.gather [hbm4b:s4+s2], $0x200, $0x38;
	[tilespmem:$0xA200] =	vst v63  }
0x15: {  	_ =	swait.ge [sflag:s8], $0x200  }
0x16: {  	[sflag:s8] =	ssyncset.done $0x0  }
0x17: {  	s0 =	simm.s32 $0x0;
	[sflag:s8] =	ssyncadd.s32 $0xFFFFFE00  }
.LBB2_2:
0x18: {  	p0 =	sne.s32 s0, $0x7FC0  }
.Ltmp0:
0x19: {  	_ = 	snop;
	(pc) =	sbr.rel @p0 .LBB2_2-.Ltmp0, $3  }
0x1a: {  	_ =	sdelay $0x1  }
0x1b: {  	s31 =	sshra.s32 s0, $0x2  }
0x1c: {  	s0 =	sadd.s32 $0x40, s0;
	[tilespmem:s31+$0x8200] =	vst v0  }
0x1d: {  	s31 =	simm.s32 $0x0;
	s0 =	simm.s32 $0x40  }
.LBB2_4:
0x1e: {  	v5 =	vld [tilespmem:s0+$0xFFFFFFC0];
	_ =	sdelay $0x4  }
0x1f: {  	v6 =	vshll.u32 v5, $0x1  }
0x20: {  	v5 =	vand.u32 $0x7, v5;
	v6 =	vand.u32 $0xFFFFFFF0, v6  }
0x21: {  	v5 =	vor.u32 v5, v6  }
0x22: {  	v6 =	vperm.xlane v5, v2;
	_ =	sdelay $0x1  }
0x23: {  	v5 =	vperm.xlane v5, v4;
	v6 =	vadd.s32 v3, v6;
	_ =	sdelay $0x1  }
0x24: {  	v5 =	vadd.s32 v3, v5;
	_ =	sdelay $0x2  }
0x25: {  	[tilespmem:s9], [sflag:$0x1] =	stream.indirect_vreg.gather [hbm4b:s1+s2], $0x80, v6, vm0, $0xb8;
	[tilespmem:$0xA200] =	vst v63  }
0x26: {  	_ = 	snop  }
0x27: {  	[tilespmem:s10], [sflag:$0x1] =	stream.indirect_vreg.gather [hbm4b:s1+s2], $0x80, v5, vm0, $0xb8;
	[tilespmem:$0xA200] =	vst v63  }
0x28: {  	v5 =	vld [tilespmem:s0+$0xFFFFFFD0];
	_ =	sdelay $0x4  }
0x29: {  	v6 =	vshll.u32 v5, $0x1  }
0x2a: {  	v5 =	vand.u32 $0x7, v5;
	v6 =	vand.u32 $0xFFFFFFF0, v6  }
0x2b: {  	v5 =	vor.u32 v5, v6  }
0x2c: {  	v6 =	vperm.xlane v5, v2;
	_ =	sdelay $0x1  }
0x2d: {  	v5 =	vperm.xlane v5, v4;
	v6 =	vadd.s32 v3, v6;
	_ =	sdelay $0x1  }
0x2e: {  	v5 =	vadd.s32 v3, v5;
	_ =	sdelay $0x2  }
0x2f: {  	[tilespmem:s11], [sflag:$0x1] =	stream.indirect_vreg.gather [hbm4b:s1+s2], $0x80, v6, vm0, $0xb8;
	[tilespmem:$0xA200] =	vst v63  }
0x30: {  	_ = 	snop  }
0x31: {  	[tilespmem:s12], [sflag:$0x1] =	stream.indirect_vreg.gather [hbm4b:s1+s2], $0x80, v5, vm0, $0xb8;
	[tilespmem:$0xA200] =	vst v63  }
0x32: {  	v5 =	vld [tilespmem:s0+$0xFFFFFFE0];
	_ =	sdelay $0x4  }
0x33: {  	v6 =	vshll.u32 v5, $0x1  }
0x34: {  	v5 =	vand.u32 $0x7, v5;
	v6 =	vand.u32 $0xFFFFFFF0, v6  }
0x35: {  	v5 =	vor.u32 v5, v6  }
0x36: {  	v6 =	vperm.xlane v5, v2;
	_ =	sdelay $0x1  }
0x37: {  	v5 =	vperm.xlane v5, v4;
	v6 =	vadd.s32 v3, v6;
	_ =	sdelay $0x1  }
0x38: {  	v5 =	vadd.s32 v3, v5;
	_ =	sdelay $0x2  }
0x39: {  	[tilespmem:s13], [sflag:$0x1] =	stream.indirect_vreg.gather [hbm4b:s1+s2], $0x80, v6, vm0, $0xb8;
	[tilespmem:$0xA200] =	vst v63  }
0x3a: {  	_ = 	snop  }
0x3b: {  	[tilespmem:s14], [sflag:$0x1] =	stream.indirect_vreg.gather [hbm4b:s1+s2], $0x80, v5, vm0, $0xb8;
	[tilespmem:$0xA200] =	vst v63  }
0x3c: {  	v5 =	vld [tilespmem:s0+$0xFFFFFFF0];
	_ =	sdelay $0x4  }
0x3d: {  	v6 =	vshll.u32 v5, $0x1  }
0x3e: {  	v5 =	vand.u32 $0x7, v5;
	v6 =	vand.u32 $0xFFFFFFF0, v6  }
0x3f: {  	v5 =	vor.u32 v5, v6  }
0x40: {  	v6 =	vperm.xlane v5, v2;
	_ =	sdelay $0x1  }
0x41: {  	v5 =	vperm.xlane v5, v4;
	v6 =	vadd.s32 v3, v6;
	_ =	sdelay $0x1  }
0x42: {  	v5 =	vadd.s32 v3, v5;
	_ =	sdelay $0x2  }
0x43: {  	[tilespmem:s15], [sflag:$0x1] =	stream.indirect_vreg.gather [hbm4b:s1+s2], $0x80, v6, vm0, $0xb8;
	[tilespmem:$0xA200] =	vst v63  }
0x44: {  	_ = 	snop  }
0x45: {  	[tilespmem:s16], [sflag:$0x1] =	stream.indirect_vreg.gather [hbm4b:s1+s2], $0x80, v5, vm0, $0xb8;
	[tilespmem:$0xA200] =	vst v63  }
0x46: {  	v5 =	vld [tilespmem:s0+$0x0];
	_ =	sdelay $0x4  }
0x47: {  	v6 =	vshll.u32 v5, $0x1  }
0x48: {  	v5 =	vand.u32 $0x7, v5;
	v6 =	vand.u32 $0xFFFFFFF0, v6  }
0x49: {  	v5 =	vor.u32 v5, v6  }
0x4a: {  	v6 =	vperm.xlane v5, v2;
	_ =	sdelay $0x1  }
0x4b: {  	v5 =	vperm.xlane v5, v4;
	v6 =	vadd.s32 v3, v6;
	_ =	sdelay $0x1  }
0x4c: {  	v5 =	vadd.s32 v3, v5;
	_ =	sdelay $0x2  }
0x4d: {  	[tilespmem:s17], [sflag:$0x1] =	stream.indirect_vreg.gather [hbm4b:s1+s2], $0x80, v6, vm0, $0xb8;
	[tilespmem:$0xA200] =	vst v63  }
0x4e: {  	_ = 	snop  }
0x4f: {  	[tilespmem:s18], [sflag:$0x1] =	stream.indirect_vreg.gather [hbm4b:s1+s2], $0x80, v5, vm0, $0xb8;
	[tilespmem:$0xA200] =	vst v63  }
0x50: {  	v5 =	vld [tilespmem:s0+$0x10];
	_ =	sdelay $0x4  }
0x51: {  	v6 =	vshll.u32 v5, $0x1  }
0x52: {  	v5 =	vand.u32 $0x7, v5;
	v6 =	vand.u32 $0xFFFFFFF0, v6  }
0x53: {  	v5 =	vor.u32 v5, v6  }
0x54: {  	v6 =	vperm.xlane v5, v2;
	_ =	sdelay $0x1  }
0x55: {  	v5 =	vperm.xlane v5, v4;
	v6 =	vadd.s32 v3, v6;
	_ =	sdelay $0x1  }
0x56: {  	v5 =	vadd.s32 v3, v5;
	_ =	sdelay $0x2  }
0x57: {  	[tilespmem:s19], [sflag:$0x1] =	stream.indirect_vreg.gather [hbm4b:s1+s2], $0x80, v6, vm0, $0xb8;
	[tilespmem:$0xA200] =	vst v63  }
0x58: {  	_ = 	snop  }
0x59: {  	[tilespmem:s20], [sflag:$0x1] =	stream.indirect_vreg.gather [hbm4b:s1+s2], $0x80, v5, vm0, $0xb8;
	[tilespmem:$0xA200] =	vst v63  }
0x5a: {  	v5 =	vld [tilespmem:s0+$0x20];
	_ =	sdelay $0x4  }
0x5b: {  	v6 =	vshll.u32 v5, $0x1  }
0x5c: {  	v5 =	vand.u32 $0x7, v5;
	v6 =	vand.u32 $0xFFFFFFF0, v6  }
0x5d: {  	v5 =	vor.u32 v5, v6  }
0x5e: {  	v6 =	vperm.xlane v5, v2;
	_ =	sdelay $0x1  }
0x5f: {  	v5 =	vperm.xlane v5, v4;
	v6 =	vadd.s32 v3, v6;
	_ =	sdelay $0x1  }
0x60: {  	v5 =	vadd.s32 v3, v5;
	_ =	sdelay $0x2  }
0x61: {  	[tilespmem:s21], [sflag:$0x1] =	stream.indirect_vreg.gather [hbm4b:s1+s2], $0x80, v6, vm0, $0xb8;
	[tilespmem:$0xA200] =	vst v63  }
0x62: {  	_ = 	snop  }
0x63: {  	[tilespmem:s22], [sflag:$0x1] =	stream.indirect_vreg.gather [hbm4b:s1+s2], $0x80, v5, vm0, $0xb8;
	[tilespmem:$0xA200] =	vst v63  }
0x64: {  	v5 =	vld [tilespmem:s0+$0x30];
	_ =	sdelay $0x4  }
0x65: {  	v6 =	vshll.u32 v5, $0x1  }
0x66: {  	v5 =	vand.u32 $0x7, v5;
	v6 =	vand.u32 $0xFFFFFFF0, v6  }
0x67: {  	v5 =	vor.u32 v5, v6  }
0x68: {  	v6 =	vperm.xlane v5, v2;
	_ =	sdelay $0x1  }
0x69: {  	v5 =	vperm.xlane v5, v4;
	v6 =	vadd.s32 v3, v6;
	_ =	sdelay $0x1  }
0x6a: {  	v5 =	vadd.s32 v3, v5;
	_ =	sdelay $0x2  }
0x6b: {  	[tilespmem:s23], [sflag:$0x1] =	stream.indirect_vreg.gather [hbm4b:s1+s2], $0x80, v6, vm0, $0xb8;
	[tilespmem:$0xA200] =	vst v63  }
0x6c: {  	_ = 	snop  }
0x6d: {  	[tilespmem:s24], [sflag:$0x1] =	stream.indirect_vreg.gather [hbm4b:s1+s2], $0x80, v5, vm0, $0xb8;
	[tilespmem:$0xA200] =	vst v63  }
0x6e: {  	_ =	swait.ge [sflag:s25], $0x8000  }
0x6f: {  	[sflag:s25] =	ssyncset.done $0x0  }
0x70: {  	s3 =	sadd.s32 s31, s7;
	[sflag:s25] =	ssyncadd.s32 $0xFFFF8000  }
0x71: {  	[hbm4b:s3+s2] =	stream.linear.scatter [tilespmem:s9], [sflag:$0x2], $0x8000, $0x38;
	[tilespmem:$0xA200] =	vst v63  }
0x72: {  	_ =	swait.ge [sflag:s8], $0x8000  }
0x73: {  	[sflag:s8] =	ssyncset.done $0x0  }
0x74: {  	[sflag:s8] =	ssyncadd.s32 $0xFFFF8000  }
0x75: {  	v5 =	vld [tilespmem:s0+$0xFFFFFFC0];
	_ =	sdelay $0x7  }
0x76: {  	[tilespmem:v5+s26+$0x0] =	vst.idx.add.s32.msk $0xffff, v1  }
0x77: {  	v5 =	vld [tilespmem:s0+$0xFFFFFFD0];
	_ =	sdelay $0x7  }
0x78: {  	[tilespmem:v5+s26+$0x0] =	vst.idx.add.s32.msk $0xffff, v1  }
0x79: {  	v5 =	vld [tilespmem:s0+$0xFFFFFFE0];
	_ =	sdelay $0x7  }
0x7a: {  	[tilespmem:v5+s26+$0x0] =	vst.idx.add.s32.msk $0xffff, v1  }
0x7b: {  	v5 =	vld [tilespmem:s0+$0xFFFFFFF0];
	_ =	sdelay $0x7  }
0x7c: {  	[tilespmem:v5+s26+$0x0] =	vst.idx.add.s32.msk $0xffff, v1  }
0x7d: {  	v5 =	vld [tilespmem:s0+$0x0];
	_ =	sdelay $0x7  }
0x7e: {  	[tilespmem:v5+s26+$0x0] =	vst.idx.add.s32.msk $0xffff, v1  }
0x7f: {  	v5 =	vld [tilespmem:s0+$0x10];
	_ =	sdelay $0x7  }
0x80: {  	[tilespmem:v5+s26+$0x0] =	vst.idx.add.s32.msk $0xffff, v1  }
0x81: {  	v5 =	vld [tilespmem:s0+$0x20];
	_ =	sdelay $0x7  }
0x82: {  	[tilespmem:v5+s26+$0x0] =	vst.idx.add.s32.msk $0xffff, v1  }
0x83: {  	v5 =	vld [tilespmem:s0+$0x30];
	_ =	sdelay $0x2  }
0x84: {  	p0 =	sne.s32 s31, $0x3000  }
.Ltmp1:
0x85: {  	_ = 	snop;
	(pc) =	sbr.rel @p0 .LBB2_4-.Ltmp1, $2  }
0x86: {  	_ =	sdelay $0x2  }
0x87: {  	s31 =	sadd.s32 $0x1000, s31;
	s0 =	sadd.s32 $0x80, s0;
	[tilespmem:v5+s26+$0x0] =	vst.idx.add.s32.msk $0xffff, v1  }
0x88: {  	s30 =	sadd.s32 $0x1, s30  }
0x89: {  	p0 =	sne.s32 s30, s6  }
.Ltmp2:
0x8a: {  	_ = 	snop;
	(pc) =	sbr.rel @p0 .LBB2_1-.Ltmp2, $4  }
0x8b: {  	[hbm4b:s5+s28] =	stream.strided.scatter [tilespmem:s26], [sflag:$0x2], $0x2000, s29, s28, $0x38;
	[tilespmem:$0xA200] =	vst v63  }
0x8c: {  	_ =	swait.ge [sflag:s8], $0x2000  }
0x8d: {  	[sflag:s8] =	ssyncset.done $0x0  }
0x8e: {  	[sflag:s8] =	ssyncadd.s32 $0xFFFFE000  }
0x8f: {  	_ =	sfence.sel $0x180000  }
0x90: {  	[bflag:$0x0] =	sbarrier.arrive $0xFFFF  }
0x91: {  	_ =	strace $0x90000047  }
0x92: {  	s0 =	stileid.u32;
	[bflag:$0x2] =	sbarrier.arrive $0xFFFF  }
0x93: {  	p0 =	sne.s32 s0, $0x0;
	s0 =	rddreg [dreg:$0x2]  }
0x94: {  	s0 =	sadd.s32 @!p0 $0x100000, s0  }
0x95: {  	[sflag:s0] =	ssyncadd.tile.s32 @!p0 $0x1;
	_ =	shalt  }
.Lfunc_end2:
_tile_overlayer_lowered:
.L_overlay_start_2:
0x96: {  	(tag) =	ssettag $0x2  }
0x97: {  	s0 =	rddreg [dreg:$0x0];
	s2 =	stileid.u32  }
0x98: {  	s1 =	rddreg [dreg:$0x1];
	p0 =	sne.s32 s2, $0x0  }
0x99: {  	s3 =	rddreg [dreg:$0x2];
	[bflag:$0x3] =	sbarrier.arrive $0xFFFF;
	s2 =	simm.s32 @!p0 $0x1C02  }
0x9a: {  	[timem:s3], [sflag:s2] =	dma.local @!p0 [hbm:s0], s1  }
0x9b: {  	s0 =	simm.s32 @!p0 $0x2  }
0x9c: {  	_ =	swait.ge @!p0 [sflag:s0], s1  }
0x9d: {  	s1 =	ssub.s32 @!p0 $0x0, s1;
	[sflag:s0] =	ssyncset.done @!p0 $0x0  }
0x9e: {  	[sflag:s0] =	ssyncadd.s32 @!p0 s1  }
0x9f: {  	[bflag:$0x3] =	sbarrier.arrive $0xFFFF  }
0xa0: {  	_ =	shalt  }

// kernel: kernel.14.cloned.1.call-start
scs
__scs_entry_jumppad:
0x0: {  	(pc) =	sbr.rel $0x88, $3  }
0x1: {  	(tag) =	ssettag $0x0;
	lr =	simm.s32 $0x1  }
0x2: {  	[smem:$0x3F9F] =	sst lr;
	_ =	strace $0xD0000000  }
0x3: {  	_ = 	snop  }
0x4: {  	_ = 	snop  }
0x5: {  	_ = 	snop  }
0x6: {  	_ = 	snop  }
0x7: {  	_ = 	snop  }
__scs_overlays_trampoline_lowered:
0x8: {  	[smem:$0x3FAE] =	sst s0  }
0x9: {  	[smem:$0x3FAF] =	sst s1  }
0xa: {  	[smem:$0x3FB0] =	sst s2  }
0xb: {  	[smem:$0x3FB1] =	sst s3  }
0xc: {  	[smem:$0x3FB2] =	sst s4  }
0xd: {  	[smem:$0x3FB3] =	sst s5  }
0xe: {  	[smem:$0x3FB4] =	sst s6  }
0xf: {  	[smem:$0x3FB5] =	sst s7  }
0x10: {  	[smem:$0x3FB6] =	sst s8  }
0x11: {  	[smem:$0x3FB7] =	sst s9;
	s0 =	simm.s32 @!p0 $0x0  }
0x12: {  	s1 =	sld [smem:$0x3F9D];
	s0 =	simm.s32 @p0 $0x1  }
0x13: {  	[smem:$0x3FB8] =	sst s0;
	s0 =	simm.s32 @!p1 $0x0  }
0x14: {  	s2 =	sld [smem:$0x3F9C];
	s0 =	simm.s32 @p1 $0x1  }
0x15: {  	[smem:$0x3FB9] =	sst s0;
	s0 =	simm.s32 @!p2 $0x0  }
0x16: {  	s3 =	sld [smem:$0x3FDB];
	s0 =	simm.s32 @p2 $0x1  }
0x17: {  	s4 =	simm.s32 $0x1BF5;
	[smem:$0x3FBB] =	sst s0  }
0x18: {  	s0 =	sld [smem:$0x3F9E];
	_ =	swait.ge [sflag:s4], $0x0  }
0x19: {  	s7 =	sld [smem:$0x3F9F]  }
0x1a: {  	s8 =	sadd.s32 $0xFFFFE003, lr  }
0x1b: {  	s9 =	sadd.s32 $0xFFFFFEF7, lr;
	s5 =	simm.s32 $0xFFFFFFFF;
	p2 =	slt.u32 s8, $0xFFFFF086  }
0x1c: {  	p1 =	slt.u32 s9, $0xF7A;
	s5 =	simm.s32 @!p2 $0x0  }
0x1d: {  	s5 =	simm.s32 @p1 $0x1;
	p0 =	seq.s32 s7, s2  }
0x1e: {  	s7 =	smul.u32 @!p0 $0xF7A, s2;
	p2 =	seq.s32 @!p0 s5, $0x0  }
0x1f: {  	s9 =	smul.u32 $0xF7A, s1;
	s8 =	simm.s32 @!p0 $0x1BF5;
	p2 =	por !p2, p0  }
0x20: {  	[sflag:s8] =	ssyncset.s32 @!p0 $0xFFFFF086;
	s6 =	sadd.s32 @!p0 s3, s7;
	s7 =	simm.s32 @!p0 $0x108  }
0x21: {  	s3 =	sadd.s32 s3, s9;
	s6 =	sadd.s32 @!p0 $0x88, s6;
	s7 =	simm.s32 @p2 $0x1082  }
0x22: {  	[simem:s7], [sflag:s8] =	dma.local @!p0 [hbm:s6], $0xF7A  }
0x23: {  	s9 =	sor.u32 $0xD0000000, s2;
	s6 =	simm.s32 $0x108;
	_ =	swait.ge @!p0 [sflag:s8], $0x0  }
0x24: {  	s3 =	sadd.s32 $0x88, s3;
	s6 =	simm.s32 @!p1 $0x1082;
	[sflag:s4] =	ssyncset.s32 $0xFFFFF086  }
0x25: {  	[simem:s6], [sflag:s4] =	dma.local [hbm:s3], $0xF7A  }
0x26: {  	[smem:$0x3F9F] =	sst s1;
	(tag) =	ssettag s2;
	_ =	strace s9  }
0x27: {  	s1 =	sld [smem:$0x3FAF]  }
0x28: {  	s2 =	sld [smem:$0x3FB0]  }
0x29: {  	s4 =	sld [smem:$0x3FB2]  }
0x2a: {  	p0 =	seq.s32 s5, $0x0;
	s5 =	sld [smem:$0x3FB3]  }
0x2b: {  	s6 =	sld [smem:$0x3FB4]  }
0x2c: {  	s7 =	sld [smem:$0x3FB5]  }
0x2d: {  	s3 =	simm.s32 $0x108;
	s8 =	sld [smem:$0x3FB6]  }
0x2e: {  	s3 =	simm.s32 @!p0 $0x1082;
	s9 =	sld [smem:$0x3FB7]  }
0x2f: {  	lr =	sadd.s32 s0, s3;
	s0 =	sld [smem:$0x3FAE]  }
0x30: {  	s3 =	sld [smem:$0x3FB1]  }
0x31: {  	[smem:$0x3FBA] =	sst s10  }
0x32: {  	s10 =	sld [smem:$0x3FB8];
	_ =	sdelay $0x3  }
0x33: {  	p0 =	seq.s32 s10, $0x1;
	s10 =	sld [smem:$0x3FBA];
	_ =	sdelay $0x3  }
0x34: {  	[smem:$0x3FBA] =	sst s10  }
0x35: {  	s10 =	sld [smem:$0x3FB9];
	_ =	sdelay $0x3  }
0x36: {  	p1 =	seq.s32 s10, $0x1;
	s10 =	sld [smem:$0x3FBA];
	_ =	sdelay $0x3  }
0x37: {  	[smem:$0x3FBA] =	sst s10  }
0x38: {  	s10 =	sld [smem:$0x3FBB]  }
0x39: {  	_ = 	snop;
	(pc) =	sbr.ind lr, $3  }
0x3a: {  	_ = 	snop  }
0x3b: {  	_ = 	snop  }
0x3c: {  	p2 =	seq.s32 s10, $0x1;
	s10 =	sld [smem:$0x3FBA]  }
0x3d: {  	_ =	shalt  }
0x3e: {  	_ =	shalt  }
0x3f: {  	_ =	shalt  }
0x40: {  	_ =	shalt  }
0x41: {  	_ =	shalt  }
0x42: {  	_ =	shalt  }
0x43: {  	_ =	shalt  }
0x44: {  	_ =	shalt  }
0x45: {  	_ =	shalt  }
0x46: {  	_ =	shalt  }
0x47: {  	_ =	shalt  }
0x48: {  	_ =	shalt  }
0x49: {  	_ =	shalt  }
0x4a: {  	_ =	shalt  }
0x4b: {  	_ =	shalt  }
0x4c: {  	_ =	shalt  }
0x4d: {  	_ =	shalt  }
0x4e: {  	_ =	shalt  }
0x4f: {  	_ =	shalt  }
0x50: {  	_ =	shalt  }
0x51: {  	_ =	shalt  }
0x52: {  	_ =	shalt  }
0x53: {  	_ =	shalt  }
0x54: {  	_ =	shalt  }
0x55: {  	_ =	shalt  }
0x56: {  	_ =	shalt  }
0x57: {  	_ =	shalt  }
0x58: {  	_ =	shalt  }
0x59: {  	_ =	shalt  }
0x5a: {  	_ =	shalt  }
0x5b: {  	_ =	shalt  }
0x5c: {  	_ =	shalt  }
0x5d: {  	_ =	shalt  }
0x5e: {  	_ =	shalt  }
0x5f: {  	_ =	shalt  }
0x60: {  	_ =	shalt  }
0x61: {  	_ =	shalt  }
0x62: {  	_ =	shalt  }
0x63: {  	_ =	shalt  }
0x64: {  	_ =	shalt  }
0x65: {  	_ =	shalt  }
0x66: {  	_ =	shalt  }
0x67: {  	_ =	shalt  }
0x68: {  	_ =	shalt  }
0x69: {  	_ =	shalt  }
0x6a: {  	_ =	shalt  }
0x6b: {  	_ =	shalt  }
0x6c: {  	_ =	shalt  }
0x6d: {  	_ =	shalt  }
0x6e: {  	_ =	shalt  }
0x6f: {  	_ =	shalt  }
0x70: {  	_ =	shalt  }
0x71: {  	_ =	shalt  }
0x72: {  	_ =	shalt  }
0x73: {  	_ =	shalt  }
0x74: {  	_ =	shalt  }
0x75: {  	_ =	shalt  }
0x76: {  	_ =	shalt  }
0x77: {  	_ =	shalt  }
0x78: {  	_ =	shalt  }
0x79: {  	_ =	shalt  }
0x7a: {  	_ =	shalt  }
0x7b: {  	_ =	shalt  }
0x7c: {  	_ =	shalt  }
0x7d: {  	_ =	shalt  }
0x7e: {  	_ =	shalt  }
0x7f: {  	_ =	shalt  }
0x80: {  	_ =	shalt  }
0x81: {  	_ =	shalt  }
0x82: {  	_ =	shalt  }
0x83: {  	_ =	shalt  }
0x84: {  	_ =	shalt  }
0x85: {  	_ =	shalt  }
0x86: {  	_ =	shalt  }
0x87: {  	_ =	shalt  }
.Lfunc_end0:
.L_simem_size_0:
called_computation.1_lowered:
.L_overlay_start_0:
0x88: {  	s2 =	sld [smem:$0x3FD9]  }
0x89: {  	s3 =	sld [smem:$0x3FFE];
	_ =	sdelay $0x1  }
0x8a: {  	s1 =	srdreg.scid  }
0x8b: {  	s0 =	sand.u32 $0x1, s1  }
0x8c: {  	s17 =	sshll.u32 s0, $0xA;
	s2 =	sadd.s32 s3, s2  }
0x8d: {  	s2 =	sadd.s32 s2, s17  }
0x8e: {  	[smem:$0x3FC6] =	sst s2  }
0x8f: {  	_ = 	snop  }
0x90: {  	s18 =	sld [smem:$0x3FC8];
	(tm) =	ssettm $0x1  }
0x91: {  	s19 =	sld [smem:$0x3FFB];
	_ =	sdelay $0x3  }
0x92: {  	_ =	strace s19  }
0x93: {  	s2 =	sld [smem:$0x3FFC];
	_ =	sdelay $0x3  }
0x94: {  	_ =	strace s2  }
0x95: {  	s2 =	sld [smem:$0x3FFD];
	_ =	sdelay $0x3  }
0x96: {  	_ =	strace s2  }
0x97: {  	_ =	strace $0x8FFFFFFF  }
0x98: {  	s20 =	sld [smem:$0x3FDB];
	_ =	sdelay $0x1  }
0x99: {  	s4 =	simm.s32 $_scs_section_size  }
0x9a: {  	s5 =	simm.s32 $_size__tile_overlayer_lowered;
	s6 =	simm.s32 $_tile_overlayer_lowered  }
0x9b: {  	s7 =	simm.s32 $0x1BFF;
	s21 =	sshll.u32 s6, $0x1;
	s4 =	sadd.s32 s4, s20  }
0x9c: {  	s22 =	simm.s32 $0x0;
	s5 =	sshll.u32 s5, $0x1;
	s6 =	sadd.s32 s21, s4  }
0x9d: {  	[timem:s22], [sflag:s7] =	dma.local [hbm:s6], s5  }
0x9e: {  	_ =	swait.ge [sflag:s7], s5  }
0x9f: {  	s5 =	ssub.s32 $0x0, s5;
	[sflag:s7] =	ssyncset.done $0x0  }
0xa0: {  	[sflag:s7] =	ssyncadd.s32 s5;
	_ =	sdelay $0x1  }
0xa1: {  	s23 =	simm.s32 $0x1B8B  }
0xa2: {  	_ =	swait.ge [sflag:s23], $0x1  }
0xa3: {  	[sflag:s23] =	ssyncset.done $0x0  }
0xa4: {  	[sflag:s23] =	ssyncadd.s32 $0xFFFFFFFF  }
0xa5: {  	s5 =	sld [smem:$0x0]  }
0xa6: {  	s6 =	sand.u32 $0xFFFFFFFE, s1  }
0xa7: {  	p0 =	sne.s32 s1, s6  }
0xa8: {  	s6 =	sshll.u32 @p0 s6, $0xE  }
0xa9: {  	s6 =	sadd.s32 @p0 $0x11B8D, s6;
	s7 =	sshll.u32 @p0 s5, $0x11  }
0xaa: {  	s6 =	sor.u32 @p0 s7, s6  }
0xab: {  	[sflag:s6] =	ssyncadd.remote.s32 @p0 $0x1;
	_ =	sdelay $0x1  }
0xac: {  	s6 =	simm.s32 @p0 $0x1B8D  }
0xad: {  	_ =	swait.eq @p0 [sflag:s6], $0x1  }
0xae: {  	[sflag:s6] =	ssyncadd.s32 @p0 $0xFFFFFFFF  }
0xaf: {  	s7 =	sshll.u32 @!p0 s1, $0xE  }
0xb0: {  	s7 =	sor.u32 @!p0 $0x4000, s7;
	s6 =	simm.s32 @!p0 $0x1B8D  }
0xb1: {  	s5 =	sshll.u32 @!p0 s5, $0x11;
	s7 =	sadd.s32 @!p0 $0x11B8D, s7;
	_ =	swait.eq @!p0 [sflag:s6], $0x1  }
0xb2: {  	s5 =	sor.u32 @!p0 s5, s7;
	[sflag:s6] =	ssyncadd.s32 @!p0 $0xFFFFFFFF  }
0xb3: {  	s25 =	simm.s32 $0x1B8E;
	s24 =	sld [smem:$0x3FFE];
	[sflag:s5] =	ssyncadd.remote.s32 @!p0 $0x1  }
0xb4: {  	s26 =	simm.s32 $execute0_lowered;
	[smem:$0x3FD2] =	sst s25  }
0xb5: {  	s6 =	sshll.u32 s26, $0x1;
	_ =	strace $0x80000049;
	[dreg:$0x1] =	wrdreg $0xFFFFFFFF  }
0xb6: {  	s28 =	simm.s32 $_size_execute0_lowered;
	s4 =	sadd.s32 s4, s6;
	[dreg:$0x0] =	wrdreg $0x0  }
0xb7: {  	s6 =	sshll.u32 s28, $0x1;
	[dreg:$0x2] =	wrdreg s4  }
0xb8: {  	[dreg:$0x3] =	wrdreg s6  }
0xb9: {  	[dreg:$0x4] =	wrdreg $0xC0  }
0xba: {  	_ =	task [dreg:s22], $0x5FFFF  }
0xbb: {  	[dreg:$0x1] =	wrdreg $0xFFFFFFFF  }
0xbc: {  	[dreg:$0x0] =	wrdreg $0x60  }
0xbd: {  	[dreg:$0x2] =	wrdreg s24  }
0xbe: {  	[dreg:$0x3] =	wrdreg s18  }
0xbf: {  	[dreg:$0x4] =	wrdreg $0xA  }
0xc0: {  	_ =	task.clear_ibuf [dreg:s22], $0x5FFFF;
	_ =	strace $0x90000049  }
0xc1: {  	s29 =	simm.s32 $0xA;
	_ =	strace $0x8000004B  }
0xc2: {  	_ =	swait.ge [sflag:s29], $0x1  }
0xc3: {  	[sflag:s29] =	ssyncadd.s32 $0xFFFFFFFF  }
0xc4: {  	_ =	strace $0x9000004B  }
0xc5: {  	_ =	sfence  }
0xc6: {  	s30 =	sld [smem:$0x0];
	_ =	sdelay $0x2  }
0xc7: {  	s31 =	sshll.u32 s1, $0xD;
	s1 =	sshrl.u32 s1, $0x2  }
0xc8: {  	s4 =	sand.u32 $0x4000, s31;
	s1 =	sadd.s32 s1, s30  }
0xc9: {  	s0 =	sor.u32 s4, s0;
	s1 =	sshll.u32 s1, $0x11  }
0xca: {  	s0 =	sor.u32 s1, s0  }
0xcb: {  	s0 =	sadd.s32 $0x8F2B, s0  }
0xcc: {  	[sflag:s0] =	ssyncadd.remote.s32 $0x1  }
0xcd: {  	_ =	sfence.sel $0xFFFF  }
0xce: {  	[dreg:$0x0] =	wrdreg $0xFFFFFFFF;
	(pc) =	sbr.abs _section_cstart, $3  }
0xcf: {  	[dreg:$0x1] =	wrdreg $0xFFFFFFFF  }
0xd0: {  	_ =	task.clear_ibuf [dreg:s22], $0x2FFFF;
	_ =	strace $0x9FFFFFFF  }
0xd1: {  	(tm) =	ssettm $0x7FFFFFFF  }
tec
execute0_lowered:
.L_overlay_start_1:
0x0: {  	(tag) =	ssettag $0x1  }
0x1: {  	s0 =	rddreg [dreg:$0x0]  }
0x2: {  	s1 =	rddreg [dreg:$0x1]  }
0x3: {  	s2 =	simm.s32 $0x0;
	s3 =	srdreg.scid;
	s23 =	stileid.u32  }
0x4: {  	s11 =	simm.s32 $0x1200;
	s12 =	simm.s32 $0x1A00;
	s13 =	simm.s32 $0x2200  }
0x5: {  	s14 =	simm.s32 $0x2A00;
	s15 =	simm.s32 $0x3200;
	s16 =	simm.s32 $0x3A00  }
0x6: {  	s17 =	simm.s32 $0x4200;
	s18 =	simm.s32 $0x4A00;
	s19 =	simm.s32 $0x5200  }
0x7: {  	s20 =	simm.s32 $0x5A00;
	s21 =	simm.s32 $0x6200;
	s22 =	simm.s32 $0x6A00  }
0x8: {  	s28 =	simm.s32 $0x80;
	s29 =	simm.s32 $0x400;
	s30 =	simm.s32 $0x0  }
0x9: {  	[smem:$0x7FF] =	sst s2;
	s4 =	sand.u32 $0x1, s3;
	s6 =	sshll.u32 s23, $0xF  }
0xa: {  	s7 =	sshll.u32 s23, $0xB;
	s9 =	sshll.u32 s23, $0x5;
	s25 =	sshll.u32 s23, $0x7  }
0xb: {  	s23 =	simm.s32 $0x7200;
	_ =	strace $0x8000004A;
	s5 =	sshll.u32 s4, $0x6  }
0xc: {  	s6 =	sadd.s32 s6, s0;
	s7 =	sand.u32 $0x6000, s7;
	s8 =	ssub.s32 $0x2, s4  }
0xd: {  	s10 =	sshll.u32 s4, $0x4;
	s26 =	sshll.u32 s4, $0xE;
	s5 =	sadd.s32 s5, s0  }
0xe: {  	s0 =	sadd.s32 s7, s0;
	s24 =	sshrl.u32 s8, $0x1;
	s9 =	sor.u32 s10, s9  }
0xf: {  	s31 =	sadd.s32 s26, s6;
	s10 =	simm.s32 $0xA00;
	s26 =	simm.s32 $0x8200  }
0x10: {  	s7 =	ssub.s32 s8, s24;
	s9 =	sand.u32 $0x70, s9;
	s5 =	sadd.s32 s25, s5  }
0x11: {  	v0 =	vimm.s32 $0x0;
	v4 =	vlaneseq.u32;
	s8 =	simm.s32 $0x2;
	s24 =	simm.s32 $0x7A00;
	s25 =	simm.s32 $0x1  }
0x12: {  	v1 =	vimm.s32 $0x1;
	vm0 =	vmmov $0xffff;
	v3 =	vshrl.u32 v4, $0x3;
	s0 =	sadd.s32 s9, s0;
	s4 =	sadd.s32 $0x8AA00, s5;
	s6 =	smax.u32 s7, $0x1  }
0x13: {  	v2 =	vand.u32 $0x7, v4;
	v4 =	vor.u32 $0x8, v4;
	v3 =	vmul.u32 $0x8, v3;
	s7 =	sadd.s32 $0x93200, s31;
	s9 =	simm.s32 $0x200;
	s5 =	sadd.s32 $0x8B200, s0  }
.LBB2_1:
0x14: {  	[tilespmem:s2], [sflag:$0x2] =	stream.linear.gather [hbm4b:s4+s2], $0x200, $0x38;
	[tilespmem:$0xA200] =	vst v63  }
0x15: {  	_ =	swait.ge [sflag:s8], $0x200  }
0x16: {  	[sflag:s8] =	ssyncset.done $0x0  }
0x17: {  	s0 =	simm.s32 $0x0;
	[sflag:s8] =	ssyncadd.s32 $0xFFFFFE00  }
.LBB2_2:
0x18: {  	p0 =	sne.s32 s0, $0x7FC0  }
.Ltmp0:
0x19: {  	_ = 	snop;
	(pc) =	sbr.rel @p0 .LBB2_2-.Ltmp0, $3  }
0x1a: {  	_ =	sdelay $0x1  }
0x1b: {  	s31 =	sshra.s32 s0, $0x2  }
0x1c: {  	s0 =	sadd.s32 $0x40, s0;
	[tilespmem:s31+$0x8200] =	vst v0  }
0x1d: {  	s31 =	simm.s32 $0x0;
	s0 =	simm.s32 $0x40  }
.LBB2_4:
0x1e: {  	v5 =	vld [tilespmem:s0+$0xFFFFFFC0];
	_ =	sdelay $0x4  }
0x1f: {  	v6 =	vshll.u32 v5, $0x1  }
0x20: {  	v5 =	vand.u32 $0x7, v5;
	v6 =	vand.u32 $0xFFFFFFF0, v6  }
0x21: {  	v5 =	vor.u32 v5, v6  }
0x22: {  	v6 =	vperm.xlane v5, v2;
	_ =	sdelay $0x1  }
0x23: {  	v5 =	vperm.xlane v5, v4;
	v6 =	vadd.s32 v3, v6;
	_ =	sdelay $0x1  }
0x24: {  	v5 =	vadd.s32 v3, v5;
	_ =	sdelay $0x2  }
0x25: {  	[tilespmem:s9], [sflag:$0x1] =	stream.indirect_vreg.gather [hbm4b:s1+s2], $0x80, v6, vm0, $0xb8;
	[tilespmem:$0xA200] =	vst v63  }
0x26: {  	_ = 	snop  }
0x27: {  	[tilespmem:s10], [sflag:$0x1] =	stream.indirect_vreg.gather [hbm4b:s1+s2], $0x80, v5, vm0, $0xb8;
	[tilespmem:$0xA200] =	vst v63  }
0x28: {  	v5 =	vld [tilespmem:s0+$0xFFFFFFD0];
	_ =	sdelay $0x4  }
0x29: {  	v6 =	vshll.u32 v5, $0x1  }
0x2a: {  	v5 =	vand.u32 $0x7, v5;
	v6 =	vand.u32 $0xFFFFFFF0, v6  }
0x2b: {  	v5 =	vor.u32 v5, v6  }
0x2c: {  	v6 =	vperm.xlane v5, v2;
	_ =	sdelay $0x1  }
0x2d: {  	v5 =	vperm.xlane v5, v4;
	v6 =	vadd.s32 v3, v6;
	_ =	sdelay $0x1  }
0x2e: {  	v5 =	vadd.s32 v3, v5;
	_ =	sdelay $0x2  }
0x2f: {  	[tilespmem:s11], [sflag:$0x1] =	stream.indirect_vreg.gather [hbm4b:s1+s2], $0x80, v6, vm0, $0xb8;
	[tilespmem:$0xA200] =	vst v63  }
0x30: {  	_ = 	snop  }
0x31: {  	[tilespmem:s12], [sflag:$0x1] =	stream.indirect_vreg.gather [hbm4b:s1+s2], $0x80, v5, vm0, $0xb8;
	[tilespmem:$0xA200] =	vst v63  }
0x32: {  	v5 =	vld [tilespmem:s0+$0xFFFFFFE0];
	_ =	sdelay $0x4  }
0x33: {  	v6 =	vshll.u32 v5, $0x1  }
0x34: {  	v5 =	vand.u32 $0x7, v5;
	v6 =	vand.u32 $0xFFFFFFF0, v6  }
0x35: {  	v5 =	vor.u32 v5, v6  }
0x36: {  	v6 =	vperm.xlane v5, v2;
	_ =	sdelay $0x1  }
0x37: {  	v5 =	vperm.xlane v5, v4;
	v6 =	vadd.s32 v3, v6;
	_ =	sdelay $0x1  }
0x38: {  	v5 =	vadd.s32 v3, v5;
	_ =	sdelay $0x2  }
0x39: {  	[tilespmem:s13], [sflag:$0x1] =	stream.indirect_vreg.gather [hbm4b:s1+s2], $0x80, v6, vm0, $0xb8;
	[tilespmem:$0xA200] =	vst v63  }
0x3a: {  	_ = 	snop  }
0x3b: {  	[tilespmem:s14], [sflag:$0x1] =	stream.indirect_vreg.gather [hbm4b:s1+s2], $0x80, v5, vm0, $0xb8;
	[tilespmem:$0xA200] =	vst v63  }
0x3c: {  	v5 =	vld [tilespmem:s0+$0xFFFFFFF0];
	_ =	sdelay $0x4  }
0x3d: {  	v6 =	vshll.u32 v5, $0x1  }
0x3e: {  	v5 =	vand.u32 $0x7, v5;
	v6 =	vand.u32 $0xFFFFFFF0, v6  }
0x3f: {  	v5 =	vor.u32 v5, v6  }
0x40: {  	v6 =	vperm.xlane v5, v2;
	_ =	sdelay $0x1  }
0x41: {  	v5 =	vperm.xlane v5, v4;
	v6 =	vadd.s32 v3, v6;
	_ =	sdelay $0x1  }
0x42: {  	v5 =	vadd.s32 v3, v5;
	_ =	sdelay $0x2  }
0x43: {  	[tilespmem:s15], [sflag:$0x1] =	stream.indirect_vreg.gather [hbm4b:s1+s2], $0x80, v6, vm0, $0xb8;
	[tilespmem:$0xA200] =	vst v63  }
0x44: {  	_ = 	snop  }
0x45: {  	[tilespmem:s16], [sflag:$0x1] =	stream.indirect_vreg.gather [hbm4b:s1+s2], $0x80, v5, vm0, $0xb8;
	[tilespmem:$0xA200] =	vst v63  }
0x46: {  	v5 =	vld [tilespmem:s0+$0x0];
	_ =	sdelay $0x4  }
0x47: {  	v6 =	vshll.u32 v5, $0x1  }
0x48: {  	v5 =	vand.u32 $0x7, v5;
	v6 =	vand.u32 $0xFFFFFFF0, v6  }
0x49: {  	v5 =	vor.u32 v5, v6  }
0x4a: {  	v6 =	vperm.xlane v5, v2;
	_ =	sdelay $0x1  }
0x4b: {  	v5 =	vperm.xlane v5, v4;
	v6 =	vadd.s32 v3, v6;
	_ =	sdelay $0x1  }
0x4c: {  	v5 =	vadd.s32 v3, v5;
	_ =	sdelay $0x2  }
0x4d: {  	[tilespmem:s17], [sflag:$0x1] =	stream.indirect_vreg.gather [hbm4b:s1+s2], $0x80, v6, vm0, $0xb8;
	[tilespmem:$0xA200] =	vst v63  }
0x4e: {  	_ = 	snop  }
0x4f: {  	[tilespmem:s18], [sflag:$0x1] =	stream.indirect_vreg.gather [hbm4b:s1+s2], $0x80, v5, vm0, $0xb8;
	[tilespmem:$0xA200] =	vst v63  }
0x50: {  	v5 =	vld [tilespmem:s0+$0x10];
	_ =	sdelay $0x4  }
0x51: {  	v6 =	vshll.u32 v5, $0x1  }
0x52: {  	v5 =	vand.u32 $0x7, v5;
	v6 =	vand.u32 $0xFFFFFFF0, v6  }
0x53: {  	v5 =	vor.u32 v5, v6  }
0x54: {  	v6 =	vperm.xlane v5, v2;
	_ =	sdelay $0x1  }
0x55: {  	v5 =	vperm.xlane v5, v4;
	v6 =	vadd.s32 v3, v6;
	_ =	sdelay $0x1  }
0x56: {  	v5 =	vadd.s32 v3, v5;
	_ =	sdelay $0x2  }
0x57: {  	[tilespmem:s19], [sflag:$0x1] =	stream.indirect_vreg.gather [hbm4b:s1+s2], $0x80, v6, vm0, $0xb8;
	[tilespmem:$0xA200] =	vst v63  }
0x58: {  	_ = 	snop  }
0x59: {  	[tilespmem:s20], [sflag:$0x1] =	stream.indirect_vreg.gather [hbm4b:s1+s2], $0x80, v5, vm0, $0xb8;
	[tilespmem:$0xA200] =	vst v63  }
0x5a: {  	v5 =	vld [tilespmem:s0+$0x20];
	_ =	sdelay $0x4  }
0x5b: {  	v6 =	vshll.u32 v5, $0x1  }
0x5c: {  	v5 =	vand.u32 $0x7, v5;
	v6 =	vand.u32 $0xFFFFFFF0, v6  }
0x5d: {  	v5 =	vor.u32 v5, v6  }
0x5e: {  	v6 =	vperm.xlane v5, v2;
	_ =	sdelay $0x1  }
0x5f: {  	v5 =	vperm.xlane v5, v4;
	v6 =	vadd.s32 v3, v6;
	_ =	sdelay $0x1  }
0x60: {  	v5 =	vadd.s32 v3, v5;
	_ =	sdelay $0x2  }
0x61: {  	[tilespmem:s21], [sflag:$0x1] =	stream.indirect_vreg.gather [hbm4b:s1+s2], $0x80, v6, vm0, $0xb8;
	[tilespmem:$0xA200] =	vst v63  }
0x62: {  	_ = 	snop  }
0x63: {  	[tilespmem:s22], [sflag:$0x1] =	stream.indirect_vreg.gather [hbm4b:s1+s2], $0x80, v5, vm0, $0xb8;
	[tilespmem:$0xA200] =	vst v63  }
0x64: {  	v5 =	vld [tilespmem:s0+$0x30];
	_ =	sdelay $0x4  }
0x65: {  	v6 =	vshll.u32 v5, $0x1  }
0x66: {  	v5 =	vand.u32 $0x7, v5;
	v6 =	vand.u32 $0xFFFFFFF0, v6  }
0x67: {  	v5 =	vor.u32 v5, v6  }
0x68: {  	v6 =	vperm.xlane v5, v2;
	_ =	sdelay $0x1  }
0x69: {  	v5 =	vperm.xlane v5, v4;
	v6 =	vadd.s32 v3, v6;
	_ =	sdelay $0x1  }
0x6a: {  	v5 =	vadd.s32 v3, v5;
	_ =	sdelay $0x2  }
0x6b: {  	[tilespmem:s23], [sflag:$0x1] =	stream.indirect_vreg.gather [hbm4b:s1+s2], $0x80, v6, vm0, $0xb8;
	[tilespmem:$0xA200] =	vst v63  }
0x6c: {  	_ = 	snop  }
0x6d: {  	[tilespmem:s24], [sflag:$0x1] =	stream.indirect_vreg.gather [hbm4b:s1+s2], $0x80, v5, vm0, $0xb8;
	[tilespmem:$0xA200] =	vst v63  }
0x6e: {  	_ =	swait.ge [sflag:s25], $0x8000  }
0x6f: {  	[sflag:s25] =	ssyncset.done $0x0  }
0x70: {  	s3 =	sadd.s32 s31, s7;
	[sflag:s25] =	ssyncadd.s32 $0xFFFF8000  }
0x71: {  	[hbm4b:s3+s2] =	stream.linear.scatter [tilespmem:s9], [sflag:$0x2], $0x8000, $0x38;
	[tilespmem:$0xA200] =	vst v63  }
0x72: {  	_ =	swait.ge [sflag:s8], $0x8000  }
0x73: {  	[sflag:s8] =	ssyncset.done $0x0  }
0x74: {  	[sflag:s8] =	ssyncadd.s32 $0xFFFF8000  }
0x75: {  	v5 =	vld [tilespmem:s0+$0xFFFFFFC0];
	_ =	sdelay $0x7  }
0x76: {  	[tilespmem:v5+s26+$0x0] =	vst.idx.add.s32.msk $0xffff, v1  }
0x77: {  	v5 =	vld [tilespmem:s0+$0xFFFFFFD0];
	_ =	sdelay $0x7  }
0x78: {  	[tilespmem:v5+s26+$0x0] =	vst.idx.add.s32.msk $0xffff, v1  }
0x79: {  	v5 =	vld [tilespmem:s0+$0xFFFFFFE0];
	_ =	sdelay $0x7  }
0x7a: {  	[tilespmem:v5+s26+$0x0] =	vst.idx.add.s32.msk $0xffff, v1  }
0x7b: {  	v5 =	vld [tilespmem:s0+$0xFFFFFFF0];
	_ =	sdelay $0x7  }
0x7c: {  	[tilespmem:v5+s26+$0x0] =	vst.idx.add.s32.msk $0xffff, v1  }
0x7d: {  	v5 =	vld [tilespmem:s0+$0x0];
	_ =	sdelay $0x7  }
0x7e: {  	[tilespmem:v5+s26+$0x0] =	vst.idx.add.s32.msk $0xffff, v1  }
0x7f: {  	v5 =	vld [tilespmem:s0+$0x10];
	_ =	sdelay $0x7  }
0x80: {  	[tilespmem:v5+s26+$0x0] =	vst.idx.add.s32.msk $0xffff, v1  }
0x81: {  	v5 =	vld [tilespmem:s0+$0x20];
	_ =	sdelay $0x7  }
0x82: {  	[tilespmem:v5+s26+$0x0] =	vst.idx.add.s32.msk $0xffff, v1  }
0x83: {  	v5 =	vld [tilespmem:s0+$0x30];
	_ =	sdelay $0x2  }
0x84: {  	p0 =	sne.s32 s31, $0x3000  }
.Ltmp1:
0x85: {  	_ = 	snop;
	(pc) =	sbr.rel @p0 .LBB2_4-.Ltmp1, $2  }
0x86: {  	_ =	sdelay $0x2  }
0x87: {  	s31 =	sadd.s32 $0x1000, s31;
	s0 =	sadd.s32 $0x80, s0;
	[tilespmem:v5+s26+$0x0] =	vst.idx.add.s32.msk $0xffff, v1  }
0x88: {  	s30 =	sadd.s32 $0x1, s30  }
0x89: {  	p0 =	sne.s32 s30, s6  }
.Ltmp2:
0x8a: {  	_ = 	snop;
	(pc) =	sbr.rel @p0 .LBB2_1-.Ltmp2, $4  }
0x8b: {  	[hbm4b:s5+s28] =	stream.strided.scatter [tilespmem:s26], [sflag:$0x2], $0x2000, s29, s28, $0x38;
	[tilespmem:$0xA200] =	vst v63  }
0x8c: {  	_ =	swait.ge [sflag:s8], $0x2000  }
0x8d: {  	[sflag:s8] =	ssyncset.done $0x0  }
0x8e: {  	[sflag:s8] =	ssyncadd.s32 $0xFFFFE000  }
0x8f: {  	_ =	sfence.sel $0x180000  }
0x90: {  	[bflag:$0x0] =	sbarrier.arrive $0xFFFF  }
0x91: {  	_ =	strace $0x9000004A  }
0x92: {  	s0 =	stileid.u32;
	[bflag:$0x2] =	sbarrier.arrive $0xFFFF  }
0x93: {  	p0 =	sne.s32 s0, $0x0;
	s0 =	rddreg [dreg:$0x2]  }
0x94: {  	s0 =	sadd.s32 @!p0 $0x100000, s0  }
0x95: {  	[sflag:s0] =	ssyncadd.tile.s32 @!p0 $0x1;
	_ =	shalt  }
.Lfunc_end2:
_tile_overlayer_lowered:
.L_overlay_start_2:
0x96: {  	(tag) =	ssettag $0x2  }
0x97: {  	s0 =	rddreg [dreg:$0x0];
	s2 =	stileid.u32  }
0x98: {  	s1 =	rddreg [dreg:$0x1];
	p0 =	sne.s32 s2, $0x0  }
0x99: {  	s3 =	rddreg [dreg:$0x2];
	[bflag:$0x3] =	sbarrier.arrive $0xFFFF;
	s2 =	simm.s32 @!p0 $0x1C02  }
0x9a: {  	[timem:s3], [sflag:s2] =	dma.local @!p0 [hbm:s0], s1  }
0x9b: {  	s0 =	simm.s32 @!p0 $0x2  }
0x9c: {  	_ =	swait.ge @!p0 [sflag:s0], s1  }
0x9d: {  	s1 =	ssub.s32 @!p0 $0x0, s1;
	[sflag:s0] =	ssyncset.done @!p0 $0x0  }
0x9e: {  	[sflag:s0] =	ssyncadd.s32 @!p0 s1  }
0x9f: {  	[bflag:$0x3] =	sbarrier.arrive $0xFFFF  }
0xa0: {  	_ =	shalt  }

// kernel: kernel.17.cloned.1.call-start
scs
__scs_entry_jumppad:
0x0: {  	(pc) =	sbr.rel $0x88, $3  }
0x1: {  	(tag) =	ssettag $0x0;
	lr =	simm.s32 $0x1  }
0x2: {  	[smem:$0x3F9F] =	sst lr;
	_ =	strace $0xD0000000  }
0x3: {  	_ = 	snop  }
0x4: {  	_ = 	snop  }
0x5: {  	_ = 	snop  }
0x6: {  	_ = 	snop  }
0x7: {  	_ = 	snop  }
__scs_overlays_trampoline_lowered:
0x8: {  	[smem:$0x3FAE] =	sst s0  }
0x9: {  	[smem:$0x3FAF] =	sst s1  }
0xa: {  	[smem:$0x3FB0] =	sst s2  }
0xb: {  	[smem:$0x3FB1] =	sst s3  }
0xc: {  	[smem:$0x3FB2] =	sst s4  }
0xd: {  	[smem:$0x3FB3] =	sst s5  }
0xe: {  	[smem:$0x3FB4] =	sst s6  }
0xf: {  	[smem:$0x3FB5] =	sst s7  }
0x10: {  	[smem:$0x3FB6] =	sst s8  }
0x11: {  	[smem:$0x3FB7] =	sst s9;
	s0 =	simm.s32 @!p0 $0x0  }
0x12: {  	s1 =	sld [smem:$0x3F9D];
	s0 =	simm.s32 @p0 $0x1  }
0x13: {  	[smem:$0x3FB8] =	sst s0;
	s0 =	simm.s32 @!p1 $0x0  }
0x14: {  	s2 =	sld [smem:$0x3F9C];
	s0 =	simm.s32 @p1 $0x1  }
0x15: {  	[smem:$0x3FB9] =	sst s0;
	s0 =	simm.s32 @!p2 $0x0  }
0x16: {  	s3 =	sld [smem:$0x3FDB];
	s0 =	simm.s32 @p2 $0x1  }
0x17: {  	s4 =	simm.s32 $0x1BF5;
	[smem:$0x3FBB] =	sst s0  }
0x18: {  	s0 =	sld [smem:$0x3F9E];
	_ =	swait.ge [sflag:s4], $0x0  }
0x19: {  	s7 =	sld [smem:$0x3F9F]  }
0x1a: {  	s8 =	sadd.s32 $0xFFFFE003, lr  }
0x1b: {  	s9 =	sadd.s32 $0xFFFFFEF7, lr;
	s5 =	simm.s32 $0xFFFFFFFF;
	p2 =	slt.u32 s8, $0xFFFFF086  }
0x1c: {  	p1 =	slt.u32 s9, $0xF7A;
	s5 =	simm.s32 @!p2 $0x0  }
0x1d: {  	s5 =	simm.s32 @p1 $0x1;
	p0 =	seq.s32 s7, s2  }
0x1e: {  	s7 =	smul.u32 @!p0 $0xF7A, s2;
	p2 =	seq.s32 @!p0 s5, $0x0  }
0x1f: {  	s9 =	smul.u32 $0xF7A, s1;
	s8 =	simm.s32 @!p0 $0x1BF5;
	p2 =	por !p2, p0  }
0x20: {  	[sflag:s8] =	ssyncset.s32 @!p0 $0xFFFFF086;
	s6 =	sadd.s32 @!p0 s3, s7;
	s7 =	simm.s32 @!p0 $0x108  }
0x21: {  	s3 =	sadd.s32 s3, s9;
	s6 =	sadd.s32 @!p0 $0x88, s6;
	s7 =	simm.s32 @p2 $0x1082  }
0x22: {  	[simem:s7], [sflag:s8] =	dma.local @!p0 [hbm:s6], $0xF7A  }
0x23: {  	s9 =	sor.u32 $0xD0000000, s2;
	s6 =	simm.s32 $0x108;
	_ =	swait.ge @!p0 [sflag:s8], $0x0  }
0x24: {  	s3 =	sadd.s32 $0x88, s3;
	s6 =	simm.s32 @!p1 $0x1082;
	[sflag:s4] =	ssyncset.s32 $0xFFFFF086  }
0x25: {  	[simem:s6], [sflag:s4] =	dma.local [hbm:s3], $0xF7A  }
0x26: {  	[smem:$0x3F9F] =	sst s1;
	(tag) =	ssettag s2;
	_ =	strace s9  }
0x27: {  	s1 =	sld [smem:$0x3FAF]  }
0x28: {  	s2 =	sld [smem:$0x3FB0]  }
0x29: {  	s4 =	sld [smem:$0x3FB2]  }
0x2a: {  	p0 =	seq.s32 s5, $0x0;
	s5 =	sld [smem:$0x3FB3]  }
0x2b: {  	s6 =	sld [smem:$0x3FB4]  }
0x2c: {  	s7 =	sld [smem:$0x3FB5]  }
0x2d: {  	s3 =	simm.s32 $0x108;
	s8 =	sld [smem:$0x3FB6]  }
0x2e: {  	s3 =	simm.s32 @!p0 $0x1082;
	s9 =	sld [smem:$0x3FB7]  }
0x2f: {  	lr =	sadd.s32 s0, s3;
	s0 =	sld [smem:$0x3FAE]  }
0x30: {  	s3 =	sld [smem:$0x3FB1]  }
0x31: {  	[smem:$0x3FBA] =	sst s10  }
0x32: {  	s10 =	sld [smem:$0x3FB8];
	_ =	sdelay $0x3  }
0x33: {  	p0 =	seq.s32 s10, $0x1;
	s10 =	sld [smem:$0x3FBA];
	_ =	sdelay $0x3  }
0x34: {  	[smem:$0x3FBA] =	sst s10  }
0x35: {  	s10 =	sld [smem:$0x3FB9];
	_ =	sdelay $0x3  }
0x36: {  	p1 =	seq.s32 s10, $0x1;
	s10 =	sld [smem:$0x3FBA];
	_ =	sdelay $0x3  }
0x37: {  	[smem:$0x3FBA] =	sst s10  }
0x38: {  	s10 =	sld [smem:$0x3FBB]  }
0x39: {  	_ = 	snop;
	(pc) =	sbr.ind lr, $3  }
0x3a: {  	_ = 	snop  }
0x3b: {  	_ = 	snop  }
0x3c: {  	p2 =	seq.s32 s10, $0x1;
	s10 =	sld [smem:$0x3FBA]  }
0x3d: {  	_ =	shalt  }
0x3e: {  	_ =	shalt  }
0x3f: {  	_ =	shalt  }
0x40: {  	_ =	shalt  }
0x41: {  	_ =	shalt  }
0x42: {  	_ =	shalt  }
0x43: {  	_ =	shalt  }
0x44: {  	_ =	shalt  }
0x45: {  	_ =	shalt  }
0x46: {  	_ =	shalt  }
0x47: {  	_ =	shalt  }
0x48: {  	_ =	shalt  }
0x49: {  	_ =	shalt  }
0x4a: {  	_ =	shalt  }
0x4b: {  	_ =	shalt  }
0x4c: {  	_ =	shalt  }
0x4d: {  	_ =	shalt  }
0x4e: {  	_ =	shalt  }
0x4f: {  	_ =	shalt  }
0x50: {  	_ =	shalt  }
0x51: {  	_ =	shalt  }
0x52: {  	_ =	shalt  }
0x53: {  	_ =	shalt  }
0x54: {  	_ =	shalt  }
0x55: {  	_ =	shalt  }
0x56: {  	_ =	shalt  }
0x57: {  	_ =	shalt  }
0x58: {  	_ =	shalt  }
0x59: {  	_ =	shalt  }
0x5a: {  	_ =	shalt  }
0x5b: {  	_ =	shalt  }
0x5c: {  	_ =	shalt  }
0x5d: {  	_ =	shalt  }
0x5e: {  	_ =	shalt  }
0x5f: {  	_ =	shalt  }
0x60: {  	_ =	shalt  }
0x61: {  	_ =	shalt  }
0x62: {  	_ =	shalt  }
0x63: {  	_ =	shalt  }
0x64: {  	_ =	shalt  }
0x65: {  	_ =	shalt  }
0x66: {  	_ =	shalt  }
0x67: {  	_ =	shalt  }
0x68: {  	_ =	shalt  }
0x69: {  	_ =	shalt  }
0x6a: {  	_ =	shalt  }
0x6b: {  	_ =	shalt  }
0x6c: {  	_ =	shalt  }
0x6d: {  	_ =	shalt  }
0x6e: {  	_ =	shalt  }
0x6f: {  	_ =	shalt  }
0x70: {  	_ =	shalt  }
0x71: {  	_ =	shalt  }
0x72: {  	_ =	shalt  }
0x73: {  	_ =	shalt  }
0x74: {  	_ =	shalt  }
0x75: {  	_ =	shalt  }
0x76: {  	_ =	shalt  }
0x77: {  	_ =	shalt  }
0x78: {  	_ =	shalt  }
0x79: {  	_ =	shalt  }
0x7a: {  	_ =	shalt  }
0x7b: {  	_ =	shalt  }
0x7c: {  	_ =	shalt  }
0x7d: {  	_ =	shalt  }
0x7e: {  	_ =	shalt  }
0x7f: {  	_ =	shalt  }
0x80: {  	_ =	shalt  }
0x81: {  	_ =	shalt  }
0x82: {  	_ =	shalt  }
0x83: {  	_ =	shalt  }
0x84: {  	_ =	shalt  }
0x85: {  	_ =	shalt  }
0x86: {  	_ =	shalt  }
0x87: {  	_ =	shalt  }
.Lfunc_end0:
.L_simem_size_0:
called_computation.2_lowered:
.L_overlay_start_0:
0x88: {  	s2 =	sld [smem:$0x3FD9]  }
0x89: {  	s3 =	sld [smem:$0x3FFE];
	_ =	sdelay $0x1  }
0x8a: {  	s1 =	srdreg.scid  }
0x8b: {  	s0 =	sand.u32 $0x1, s1  }
0x8c: {  	s17 =	sshll.u32 s0, $0xA;
	s2 =	sadd.s32 s3, s2  }
0x8d: {  	s2 =	sadd.s32 s2, s17  }
0x8e: {  	[smem:$0x3FC6] =	sst s2  }
0x8f: {  	_ = 	snop  }
0x90: {  	s18 =	sld [smem:$0x3FC8];
	(tm) =	ssettm $0x1  }
0x91: {  	s19 =	sld [smem:$0x3FFB];
	_ =	sdelay $0x3  }
0x92: {  	_ =	strace s19  }
0x93: {  	s2 =	sld [smem:$0x3FFC];
	_ =	sdelay $0x3  }
0x94: {  	_ =	strace s2  }
0x95: {  	s2 =	sld [smem:$0x3FFD];
	_ =	sdelay $0x3  }
0x96: {  	_ =	strace s2  }
0x97: {  	_ =	strace $0x8FFFFFFF  }
0x98: {  	s20 =	sld [smem:$0x3FDB];
	_ =	sdelay $0x1  }
0x99: {  	s4 =	simm.s32 $_scs_section_size  }
0x9a: {  	s5 =	simm.s32 $_size__tile_overlayer_lowered;
	s6 =	simm.s32 $_tile_overlayer_lowered  }
0x9b: {  	s7 =	simm.s32 $0x1BFF;
	s21 =	sshll.u32 s6, $0x1;
	s4 =	sadd.s32 s4, s20  }
0x9c: {  	s22 =	simm.s32 $0x0;
	s5 =	sshll.u32 s5, $0x1;
	s6 =	sadd.s32 s21, s4  }
0x9d: {  	[timem:s22], [sflag:s7] =	dma.local [hbm:s6], s5  }
0x9e: {  	_ =	swait.ge [sflag:s7], s5  }
0x9f: {  	s5 =	ssub.s32 $0x0, s5;
	[sflag:s7] =	ssyncset.done $0x0  }
0xa0: {  	[sflag:s7] =	ssyncadd.s32 s5;
	_ =	sdelay $0x1  }
0xa1: {  	s23 =	simm.s32 $0x1B8B  }
0xa2: {  	_ =	swait.ge [sflag:s23], $0x1  }
0xa3: {  	[sflag:s23] =	ssyncset.done $0x0  }
0xa4: {  	[sflag:s23] =	ssyncadd.s32 $0xFFFFFFFF  }
0xa5: {  	s5 =	sld [smem:$0x0]  }
0xa6: {  	s6 =	sand.u32 $0xFFFFFFFE, s1  }
0xa7: {  	p0 =	sne.s32 s1, s6  }
0xa8: {  	s6 =	sshll.u32 @p0 s6, $0xE  }
0xa9: {  	s6 =	sadd.s32 @p0 $0x11B8D, s6;
	s7 =	sshll.u32 @p0 s5, $0x11  }
0xaa: {  	s6 =	sor.u32 @p0 s7, s6  }
0xab: {  	[sflag:s6] =	ssyncadd.remote.s32 @p0 $0x1;
	_ =	sdelay $0x1  }
0xac: {  	s6 =	simm.s32 @p0 $0x1B8D  }
0xad: {  	_ =	swait.eq @p0 [sflag:s6], $0x1  }
0xae: {  	[sflag:s6] =	ssyncadd.s32 @p0 $0xFFFFFFFF  }
0xaf: {  	s7 =	sshll.u32 @!p0 s1, $0xE  }
0xb0: {  	s7 =	sor.u32 @!p0 $0x4000, s7;
	s6 =	simm.s32 @!p0 $0x1B8D  }
0xb1: {  	s5 =	sshll.u32 @!p0 s5, $0x11;
	s7 =	sadd.s32 @!p0 $0x11B8D, s7;
	_ =	swait.eq @!p0 [sflag:s6], $0x1  }
0xb2: {  	s5 =	sor.u32 @!p0 s5, s7;
	[sflag:s6] =	ssyncadd.s32 @!p0 $0xFFFFFFFF  }
0xb3: {  	s25 =	simm.s32 $0x1B8E;
	s24 =	sld [smem:$0x3FFE];
	[sflag:s5] =	ssyncadd.remote.s32 @!p0 $0x1  }
0xb4: {  	s26 =	simm.s32 $execute0_lowered;
	[smem:$0x3FD2] =	sst s25  }
0xb5: {  	s6 =	sshll.u32 s26, $0x1;
	_ =	strace $0x8000004C;
	[dreg:$0x1] =	wrdreg $0xFFFFFFFF  }
0xb6: {  	s28 =	simm.s32 $_size_execute0_lowered;
	s4 =	sadd.s32 s4, s6;
	[dreg:$0x0] =	wrdreg $0x0  }
0xb7: {  	s6 =	sshll.u32 s28, $0x1;
	[dreg:$0x2] =	wrdreg s4  }
0xb8: {  	[dreg:$0x3] =	wrdreg s6  }
0xb9: {  	[dreg:$0x4] =	wrdreg $0xC0  }
0xba: {  	_ =	task [dreg:s22], $0x5FFFF  }
0xbb: {  	[dreg:$0x1] =	wrdreg $0xFFFFFFFF  }
0xbc: {  	[dreg:$0x0] =	wrdreg $0x60  }
0xbd: {  	[dreg:$0x2] =	wrdreg s24  }
0xbe: {  	[dreg:$0x3] =	wrdreg s18  }
0xbf: {  	[dreg:$0x4] =	wrdreg $0xB  }
0xc0: {  	_ =	task.clear_ibuf [dreg:s22], $0x5FFFF;
	_ =	strace $0x9000004C  }
0xc1: {  	s29 =	simm.s32 $0xB;
	_ =	strace $0x8000004E  }
0xc2: {  	_ =	swait.ge [sflag:s29], $0x1  }
0xc3: {  	[sflag:s29] =	ssyncadd.s32 $0xFFFFFFFF  }
0xc4: {  	_ =	strace $0x9000004E  }
0xc5: {  	_ =	sfence  }
0xc6: {  	s30 =	sld [smem:$0x0];
	_ =	sdelay $0x2  }
0xc7: {  	s31 =	sshll.u32 s1, $0xD;
	s1 =	sshrl.u32 s1, $0x2  }
0xc8: {  	s4 =	sand.u32 $0x4000, s31;
	s1 =	sadd.s32 s1, s30  }
0xc9: {  	s0 =	sor.u32 s4, s0;
	s1 =	sshll.u32 s1, $0x11  }
0xca: {  	s0 =	sor.u32 s1, s0  }
0xcb: {  	s0 =	sadd.s32 $0x8F2B, s0  }
0xcc: {  	[sflag:s0] =	ssyncadd.remote.s32 $0x1  }
0xcd: {  	_ =	sfence.sel $0xFFFF  }
0xce: {  	[dreg:$0x0] =	wrdreg $0xFFFFFFFF;
	(pc) =	sbr.abs _section_cstart, $3  }
0xcf: {  	[dreg:$0x1] =	wrdreg $0xFFFFFFFF  }
0xd0: {  	_ =	task.clear_ibuf [dreg:s22], $0x2FFFF;
	_ =	strace $0x9FFFFFFF  }
0xd1: {  	(tm) =	ssettm $0x7FFFFFFF  }
tec
execute0_lowered:
.L_overlay_start_1:
0x0: {  	(tag) =	ssettag $0x1  }
0x1: {  	s0 =	rddreg [dreg:$0x0]  }
0x2: {  	s1 =	rddreg [dreg:$0x1]  }
0x3: {  	s2 =	simm.s32 $0x0;
	s3 =	srdreg.scid;
	s23 =	stileid.u32  }
0x4: {  	s11 =	simm.s32 $0x1200;
	s12 =	simm.s32 $0x1A00;
	s13 =	simm.s32 $0x2200  }
0x5: {  	s14 =	simm.s32 $0x2A00;
	s15 =	simm.s32 $0x3200;
	s16 =	simm.s32 $0x3A00  }
0x6: {  	s17 =	simm.s32 $0x4200;
	s18 =	simm.s32 $0x4A00;
	s19 =	simm.s32 $0x5200  }
0x7: {  	s20 =	simm.s32 $0x5A00;
	s21 =	simm.s32 $0x6200;
	s22 =	simm.s32 $0x6A00  }
0x8: {  	s28 =	simm.s32 $0x80;
	s29 =	simm.s32 $0x400;
	s30 =	simm.s32 $0x0  }
0x9: {  	[smem:$0x7FF] =	sst s2;
	s4 =	sand.u32 $0x1, s3;
	s6 =	sshll.u32 s23, $0xF  }
0xa: {  	s7 =	sshll.u32 s23, $0xB;
	s9 =	sshll.u32 s23, $0x5;
	s25 =	sshll.u32 s23, $0x7  }
0xb: {  	s23 =	simm.s32 $0x7200;
	_ =	strace $0x8000004D;
	s5 =	sshll.u32 s4, $0x6  }
0xc: {  	s6 =	sadd.s32 s6, s0;
	s7 =	sand.u32 $0x6000, s7;
	s8 =	ssub.s32 $0x2, s4  }
0xd: {  	s10 =	sshll.u32 s4, $0x4;
	s26 =	sshll.u32 s4, $0xE;
	s5 =	sadd.s32 s5, s0  }
0xe: {  	s0 =	sadd.s32 s7, s0;
	s24 =	sshrl.u32 s8, $0x1;
	s9 =	sor.u32 s10, s9  }
0xf: {  	s31 =	sadd.s32 s26, s6;
	s10 =	simm.s32 $0xA00;
	s26 =	simm.s32 $0x8200  }
0x10: {  	s7 =	ssub.s32 s8, s24;
	s9 =	sand.u32 $0x70, s9;
	s5 =	sadd.s32 s25, s5  }
0x11: {  	v0 =	vimm.s32 $0x0;
	v4 =	vlaneseq.u32;
	s8 =	simm.s32 $0x2;
	s24 =	simm.s32 $0x7A00;
	s0 =	sadd.s32 s9, s0  }
0x12: {  	v1 =	vimm.s32 $0x1;
	vm0 =	vmmov $0xffff;
	v3 =	vshrl.u32 v4, $0x3;
	s4 =	sadd.s32 $0x113200, s5;
	s6 =	smax.u32 s7, $0x1;
	s7 =	sadd.s32 $0x11BA00, s31  }
0x13: {  	v2 =	vand.u32 $0x7, v4;
	v4 =	vor.u32 $0x8, v4;
	v3 =	vmul.u32 $0x8, v3;
	s25 =	simm.s32 $0x1;
	s9 =	simm.s32 $0x200;
	s5 =	sadd.s32 $0x113A00, s0  }
.LBB2_1:
0x14: {  	[tilespmem:s2], [sflag:$0x2] =	stream.linear.gather [hbm4b:s4+s2], $0x200, $0x38;
	[tilespmem:$0xA200] =	vst v63  }
0x15: {  	_ =	swait.ge [sflag:s8], $0x200  }
0x16: {  	[sflag:s8] =	ssyncset.done $0x0  }
0x17: {  	s0 =	simm.s32 $0x0;
	[sflag:s8] =	ssyncadd.s32 $0xFFFFFE00  }
.LBB2_2:
0x18: {  	p0 =	sne.s32 s0, $0x7FC0  }
.Ltmp0:
0x19: {  	_ = 	snop;
	(pc) =	sbr.rel @p0 .LBB2_2-.Ltmp0, $3  }
0x1a: {  	_ =	sdelay $0x1  }
0x1b: {  	s31 =	sshra.s32 s0, $0x2  }
0x1c: {  	s0 =	sadd.s32 $0x40, s0;
	[tilespmem:s31+$0x8200] =	vst v0  }
0x1d: {  	s31 =	simm.s32 $0x0;
	s0 =	simm.s32 $0x40  }
.LBB2_4:
0x1e: {  	v5 =	vld [tilespmem:s0+$0xFFFFFFC0];
	_ =	sdelay $0x4  }
0x1f: {  	v6 =	vshll.u32 v5, $0x1  }
0x20: {  	v5 =	vand.u32 $0x7, v5;
	v6 =	vand.u32 $0xFFFFFFF0, v6  }
0x21: {  	v5 =	vor.u32 v5, v6  }
0x22: {  	v6 =	vperm.xlane v5, v2;
	_ =	sdelay $0x1  }
0x23: {  	v5 =	vperm.xlane v5, v4;
	v6 =	vadd.s32 v3, v6;
	_ =	sdelay $0x1  }
0x24: {  	v5 =	vadd.s32 v3, v5;
	_ =	sdelay $0x2  }
0x25: {  	[tilespmem:s9], [sflag:$0x1] =	stream.indirect_vreg.gather [hbm4b:s1+s2], $0x80, v6, vm0, $0xb8;
	[tilespmem:$0xA200] =	vst v63  }
0x26: {  	_ = 	snop  }
0x27: {  	[tilespmem:s10], [sflag:$0x1] =	stream.indirect_vreg.gather [hbm4b:s1+s2], $0x80, v5, vm0, $0xb8;
	[tilespmem:$0xA200] =	vst v63  }
0x28: {  	v5 =	vld [tilespmem:s0+$0xFFFFFFD0];
	_ =	sdelay $0x4  }
0x29: {  	v6 =	vshll.u32 v5, $0x1  }
0x2a: {  	v5 =	vand.u32 $0x7, v5;
	v6 =	vand.u32 $0xFFFFFFF0, v6  }
0x2b: {  	v5 =	vor.u32 v5, v6  }
0x2c: {  	v6 =	vperm.xlane v5, v2;
	_ =	sdelay $0x1  }
0x2d: {  	v5 =	vperm.xlane v5, v4;
	v6 =	vadd.s32 v3, v6;
	_ =	sdelay $0x1  }
0x2e: {  	v5 =	vadd.s32 v3, v5;
	_ =	sdelay $0x2  }
0x2f: {  	[tilespmem:s11], [sflag:$0x1] =	stream.indirect_vreg.gather [hbm4b:s1+s2], $0x80, v6, vm0, $0xb8;
	[tilespmem:$0xA200] =	vst v63  }
0x30: {  	_ = 	snop  }
0x31: {  	[tilespmem:s12], [sflag:$0x1] =	stream.indirect_vreg.gather [hbm4b:s1+s2], $0x80, v5, vm0, $0xb8;
	[tilespmem:$0xA200] =	vst v63  }
0x32: {  	v5 =	vld [tilespmem:s0+$0xFFFFFFE0];
	_ =	sdelay $0x4  }
0x33: {  	v6 =	vshll.u32 v5, $0x1  }
0x34: {  	v5 =	vand.u32 $0x7, v5;
	v6 =	vand.u32 $0xFFFFFFF0, v6  }
0x35: {  	v5 =	vor.u32 v5, v6  }
0x36: {  	v6 =	vperm.xlane v5, v2;
	_ =	sdelay $0x1  }
0x37: {  	v5 =	vperm.xlane v5, v4;
	v6 =	vadd.s32 v3, v6;
	_ =	sdelay $0x1  }
0x38: {  	v5 =	vadd.s32 v3, v5;
	_ =	sdelay $0x2  }
0x39: {  	[tilespmem:s13], [sflag:$0x1] =	stream.indirect_vreg.gather [hbm4b:s1+s2], $0x80, v6, vm0, $0xb8;
	[tilespmem:$0xA200] =	vst v63  }
0x3a: {  	_ = 	snop  }
0x3b: {  	[tilespmem:s14], [sflag:$0x1] =	stream.indirect_vreg.gather [hbm4b:s1+s2], $0x80, v5, vm0, $0xb8;
	[tilespmem:$0xA200] =	vst v63  }
0x3c: {  	v5 =	vld [tilespmem:s0+$0xFFFFFFF0];
	_ =	sdelay $0x4  }
0x3d: {  	v6 =	vshll.u32 v5, $0x1  }
0x3e: {  	v5 =	vand.u32 $0x7, v5;
	v6 =	vand.u32 $0xFFFFFFF0, v6  }
0x3f: {  	v5 =	vor.u32 v5, v6  }
0x40: {  	v6 =	vperm.xlane v5, v2;
	_ =	sdelay $0x1  }
0x41: {  	v5 =	vperm.xlane v5, v4;
	v6 =	vadd.s32 v3, v6;
	_ =	sdelay $0x1  }
0x42: {  	v5 =	vadd.s32 v3, v5;
	_ =	sdelay $0x2  }
0x43: {  	[tilespmem:s15], [sflag:$0x1] =	stream.indirect_vreg.gather [hbm4b:s1+s2], $0x80, v6, vm0, $0xb8;
	[tilespmem:$0xA200] =	vst v63  }
0x44: {  	_ = 	snop  }
0x45: {  	[tilespmem:s16], [sflag:$0x1] =	stream.indirect_vreg.gather [hbm4b:s1+s2], $0x80, v5, vm0, $0xb8;
	[tilespmem:$0xA200] =	vst v63  }
0x46: {  	v5 =	vld [tilespmem:s0+$0x0];
	_ =	sdelay $0x4  }
0x47: {  	v6 =	vshll.u32 v5, $0x1  }
0x48: {  	v5 =	vand.u32 $0x7, v5;
	v6 =	vand.u32 $0xFFFFFFF0, v6  }
0x49: {  	v5 =	vor.u32 v5, v6  }
0x4a: {  	v6 =	vperm.xlane v5, v2;
	_ =	sdelay $0x1  }
0x4b: {  	v5 =	vperm.xlane v5, v4;
	v6 =	vadd.s32 v3, v6;
	_ =	sdelay $0x1  }
0x4c: {  	v5 =	vadd.s32 v3, v5;
	_ =	sdelay $0x2  }
0x4d: {  	[tilespmem:s17], [sflag:$0x1] =	stream.indirect_vreg.gather [hbm4b:s1+s2], $0x80, v6, vm0, $0xb8;
	[tilespmem:$0xA200] =	vst v63  }
0x4e: {  	_ = 	snop  }
0x4f: {  	[tilespmem:s18], [sflag:$0x1] =	stream.indirect_vreg.gather [hbm4b:s1+s2], $0x80, v5, vm0, $0xb8;
	[tilespmem:$0xA200] =	vst v63  }
0x50: {  	v5 =	vld [tilespmem:s0+$0x10];
	_ =	sdelay $0x4  }
0x51: {  	v6 =	vshll.u32 v5, $0x1  }
0x52: {  	v5 =	vand.u32 $0x7, v5;
	v6 =	vand.u32 $0xFFFFFFF0, v6  }
0x53: {  	v5 =	vor.u32 v5, v6  }
0x54: {  	v6 =	vperm.xlane v5, v2;
	_ =	sdelay $0x1  }
0x55: {  	v5 =	vperm.xlane v5, v4;
	v6 =	vadd.s32 v3, v6;
	_ =	sdelay $0x1  }
0x56: {  	v5 =	vadd.s32 v3, v5;
	_ =	sdelay $0x2  }
0x57: {  	[tilespmem:s19], [sflag:$0x1] =	stream.indirect_vreg.gather [hbm4b:s1+s2], $0x80, v6, vm0, $0xb8;
	[tilespmem:$0xA200] =	vst v63  }
0x58: {  	_ = 	snop  }
0x59: {  	[tilespmem:s20], [sflag:$0x1] =	stream.indirect_vreg.gather [hbm4b:s1+s2], $0x80, v5, vm0, $0xb8;
	[tilespmem:$0xA200] =	vst v63  }
0x5a: {  	v5 =	vld [tilespmem:s0+$0x20];
	_ =	sdelay $0x4  }
0x5b: {  	v6 =	vshll.u32 v5, $0x1  }
0x5c: {  	v5 =	vand.u32 $0x7, v5;
	v6 =	vand.u32 $0xFFFFFFF0, v6  }
0x5d: {  	v5 =	vor.u32 v5, v6  }
0x5e: {  	v6 =	vperm.xlane v5, v2;
	_ =	sdelay $0x1  }
0x5f: {  	v5 =	vperm.xlane v5, v4;
	v6 =	vadd.s32 v3, v6;
	_ =	sdelay $0x1  }
0x60: {  	v5 =	vadd.s32 v3, v5;
	_ =	sdelay $0x2  }
0x61: {  	[tilespmem:s21], [sflag:$0x1] =	stream.indirect_vreg.gather [hbm4b:s1+s2], $0x80, v6, vm0, $0xb8;
	[tilespmem:$0xA200] =	vst v63  }
0x62: {  	_ = 	snop  }
0x63: {  	[tilespmem:s22], [sflag:$0x1] =	stream.indirect_vreg.gather [hbm4b:s1+s2], $0x80, v5, vm0, $0xb8;
	[tilespmem:$0xA200] =	vst v63  }
0x64: {  	v5 =	vld [tilespmem:s0+$0x30];
	_ =	sdelay $0x4  }
0x65: {  	v6 =	vshll.u32 v5, $0x1  }
0x66: {  	v5 =	vand.u32 $0x7, v5;
	v6 =	vand.u32 $0xFFFFFFF0, v6  }
0x67: {  	v5 =	vor.u32 v5, v6  }
0x68: {  	v6 =	vperm.xlane v5, v2;
	_ =	sdelay $0x1  }
0x69: {  	v5 =	vperm.xlane v5, v4;
	v6 =	vadd.s32 v3, v6;
	_ =	sdelay $0x1  }
0x6a: {  	v5 =	vadd.s32 v3, v5;
	_ =	sdelay $0x2  }
0x6b: {  	[tilespmem:s23], [sflag:$0x1] =	stream.indirect_vreg.gather [hbm4b:s1+s2], $0x80, v6, vm0, $0xb8;
	[tilespmem:$0xA200] =	vst v63  }
0x6c: {  	_ = 	snop  }
0x6d: {  	[tilespmem:s24], [sflag:$0x1] =	stream.indirect_vreg.gather [hbm4b:s1+s2], $0x80, v5, vm0, $0xb8;
	[tilespmem:$0xA200] =	vst v63  }
0x6e: {  	_ =	swait.ge [sflag:s25], $0x8000  }
0x6f: {  	[sflag:s25] =	ssyncset.done $0x0  }
0x70: {  	s3 =	sadd.s32 s31, s7;
	[sflag:s25] =	ssyncadd.s32 $0xFFFF8000  }
0x71: {  	[hbm4b:s3+s2] =	stream.linear.scatter [tilespmem:s9], [sflag:$0x2], $0x8000, $0x38;
	[tilespmem:$0xA200] =	vst v63  }
0x72: {  	_ =	swait.ge [sflag:s8], $0x8000  }
0x73: {  	[sflag:s8] =	ssyncset.done $0x0  }
0x74: {  	[sflag:s8] =	ssyncadd.s32 $0xFFFF8000  }
0x75: {  	v5 =	vld [tilespmem:s0+$0xFFFFFFC0];
	_ =	sdelay $0x7  }
0x76: {  	[tilespmem:v5+s26+$0x0] =	vst.idx.add.s32.msk $0xffff, v1  }
0x77: {  	v5 =	vld [tilespmem:s0+$0xFFFFFFD0];
	_ =	sdelay $0x7  }
0x78: {  	[tilespmem:v5+s26+$0x0] =	vst.idx.add.s32.msk $0xffff, v1  }
0x79: {  	v5 =	vld [tilespmem:s0+$0xFFFFFFE0];
	_ =	sdelay $0x7  }
0x7a: {  	[tilespmem:v5+s26+$0x0] =	vst.idx.add.s32.msk $0xffff, v1  }
0x7b: {  	v5 =	vld [tilespmem:s0+$0xFFFFFFF0];
	_ =	sdelay $0x7  }
0x7c: {  	[tilespmem:v5+s26+$0x0] =	vst.idx.add.s32.msk $0xffff, v1  }
0x7d: {  	v5 =	vld [tilespmem:s0+$0x0];
	_ =	sdelay $0x7  }
0x7e: {  	[tilespmem:v5+s26+$0x0] =	vst.idx.add.s32.msk $0xffff, v1  }
0x7f: {  	v5 =	vld [tilespmem:s0+$0x10];
	_ =	sdelay $0x7  }
0x80: {  	[tilespmem:v5+s26+$0x0] =	vst.idx.add.s32.msk $0xffff, v1  }
0x81: {  	v5 =	vld [tilespmem:s0+$0x20];
	_ =	sdelay $0x7  }
0x82: {  	[tilespmem:v5+s26+$0x0] =	vst.idx.add.s32.msk $0xffff, v1  }
0x83: {  	v5 =	vld [tilespmem:s0+$0x30];
	_ =	sdelay $0x2  }
0x84: {  	p0 =	sne.s32 s31, $0x3000  }
.Ltmp1:
0x85: {  	_ = 	snop;
	(pc) =	sbr.rel @p0 .LBB2_4-.Ltmp1, $2  }
0x86: {  	_ =	sdelay $0x2  }
0x87: {  	s31 =	sadd.s32 $0x1000, s31;
	s0 =	sadd.s32 $0x80, s0;
	[tilespmem:v5+s26+$0x0] =	vst.idx.add.s32.msk $0xffff, v1  }
0x88: {  	s30 =	sadd.s32 $0x1, s30  }
0x89: {  	p0 =	sne.s32 s30, s6  }
.Ltmp2:
0x8a: {  	_ = 	snop;
	(pc) =	sbr.rel @p0 .LBB2_1-.Ltmp2, $4  }
0x8b: {  	[hbm4b:s5+s28] =	stream.strided.scatter [tilespmem:s26], [sflag:$0x2], $0x2000, s29, s28, $0x38;
	[tilespmem:$0xA200] =	vst v63  }
0x8c: {  	_ =	swait.ge [sflag:s8], $0x2000  }
0x8d: {  	[sflag:s8] =	ssyncset.done $0x0  }
0x8e: {  	[sflag:s8] =	ssyncadd.s32 $0xFFFFE000  }
0x8f: {  	_ =	sfence.sel $0x180000  }
0x90: {  	[bflag:$0x0] =	sbarrier.arrive $0xFFFF  }
0x91: {  	_ =	strace $0x9000004D  }
0x92: {  	s0 =	stileid.u32;
	[bflag:$0x2] =	sbarrier.arrive $0xFFFF  }
0x93: {  	p0 =	sne.s32 s0, $0x0;
	s0 =	rddreg [dreg:$0x2]  }
0x94: {  	s0 =	sadd.s32 @!p0 $0x100000, s0  }
0x95: {  	[sflag:s0] =	ssyncadd.tile.s32 @!p0 $0x1;
	_ =	shalt  }
.Lfunc_end2:
_tile_overlayer_lowered:
.L_overlay_start_2:
0x96: {  	(tag) =	ssettag $0x2  }
0x97: {  	s0 =	rddreg [dreg:$0x0];
	s2 =	stileid.u32  }
0x98: {  	s1 =	rddreg [dreg:$0x1];
	p0 =	sne.s32 s2, $0x0  }
0x99: {  	s3 =	rddreg [dreg:$0x2];
	[bflag:$0x3] =	sbarrier.arrive $0xFFFF;
	s2 =	simm.s32 @!p0 $0x1C02  }
0x9a: {  	[timem:s3], [sflag:s2] =	dma.local @!p0 [hbm:s0], s1  }
0x9b: {  	s0 =	simm.s32 @!p0 $0x2  }
0x9c: {  	_ =	swait.ge @!p0 [sflag:s0], s1  }
0x9d: {  	s1 =	ssub.s32 @!p0 $0x0, s1;
	[sflag:s0] =	ssyncset.done @!p0 $0x0  }
0x9e: {  	[sflag:s0] =	ssyncadd.s32 @!p0 s1  }
0x9f: {  	[bflag:$0x3] =	sbarrier.arrive $0xFFFF  }
0xa0: {  	_ =	shalt  }

// kernel: kernel.20.cloned.1.call-start
scs
__scs_entry_jumppad:
0x0: {  	(pc) =	sbr.rel $0x88, $3  }
0x1: {  	(tag) =	ssettag $0x0;
	lr =	simm.s32 $0x1  }
0x2: {  	[smem:$0x3F9F] =	sst lr;
	_ =	strace $0xD0000000  }
0x3: {  	_ = 	snop  }
0x4: {  	_ = 	snop  }
0x5: {  	_ = 	snop  }
0x6: {  	_ = 	snop  }
0x7: {  	_ = 	snop  }
__scs_overlays_trampoline_lowered:
0x8: {  	[smem:$0x3FAE] =	sst s0  }
0x9: {  	[smem:$0x3FAF] =	sst s1  }
0xa: {  	[smem:$0x3FB0] =	sst s2  }
0xb: {  	[smem:$0x3FB1] =	sst s3  }
0xc: {  	[smem:$0x3FB2] =	sst s4  }
0xd: {  	[smem:$0x3FB3] =	sst s5  }
0xe: {  	[smem:$0x3FB4] =	sst s6  }
0xf: {  	[smem:$0x3FB5] =	sst s7  }
0x10: {  	[smem:$0x3FB6] =	sst s8  }
0x11: {  	[smem:$0x3FB7] =	sst s9;
	s0 =	simm.s32 @!p0 $0x0  }
0x12: {  	s1 =	sld [smem:$0x3F9D];
	s0 =	simm.s32 @p0 $0x1  }
0x13: {  	[smem:$0x3FB8] =	sst s0;
	s0 =	simm.s32 @!p1 $0x0  }
0x14: {  	s2 =	sld [smem:$0x3F9C];
	s0 =	simm.s32 @p1 $0x1  }
0x15: {  	[smem:$0x3FB9] =	sst s0;
	s0 =	simm.s32 @!p2 $0x0  }
0x16: {  	s3 =	sld [smem:$0x3FDB];
	s0 =	simm.s32 @p2 $0x1  }
0x17: {  	s4 =	simm.s32 $0x1BF5;
	[smem:$0x3FBB] =	sst s0  }
0x18: {  	s0 =	sld [smem:$0x3F9E];
	_ =	swait.ge [sflag:s4], $0x0  }
0x19: {  	s7 =	sld [smem:$0x3F9F]  }
0x1a: {  	s8 =	sadd.s32 $0xFFFFE003, lr  }
0x1b: {  	s9 =	sadd.s32 $0xFFFFFEF7, lr;
	s5 =	simm.s32 $0xFFFFFFFF;
	p2 =	slt.u32 s8, $0xFFFFF086  }
0x1c: {  	p1 =	slt.u32 s9, $0xF7A;
	s5 =	simm.s32 @!p2 $0x0  }
0x1d: {  	s5 =	simm.s32 @p1 $0x1;
	p0 =	seq.s32 s7, s2  }
0x1e: {  	s7 =	smul.u32 @!p0 $0xF7A, s2;
	p2 =	seq.s32 @!p0 s5, $0x0  }
0x1f: {  	s9 =	smul.u32 $0xF7A, s1;
	s8 =	simm.s32 @!p0 $0x1BF5;
	p2 =	por !p2, p0  }
0x20: {  	[sflag:s8] =	ssyncset.s32 @!p0 $0xFFFFF086;
	s6 =	sadd.s32 @!p0 s3, s7;
	s7 =	simm.s32 @!p0 $0x108  }
0x21: {  	s3 =	sadd.s32 s3, s9;
	s6 =	sadd.s32 @!p0 $0x88, s6;
	s7 =	simm.s32 @p2 $0x1082  }
0x22: {  	[simem:s7], [sflag:s8] =	dma.local @!p0 [hbm:s6], $0xF7A  }
0x23: {  	s9 =	sor.u32 $0xD0000000, s2;
	s6 =	simm.s32 $0x108;
	_ =	swait.ge @!p0 [sflag:s8], $0x0  }
0x24: {  	s3 =	sadd.s32 $0x88, s3;
	s6 =	simm.s32 @!p1 $0x1082;
	[sflag:s4] =	ssyncset.s32 $0xFFFFF086  }
0x25: {  	[simem:s6], [sflag:s4] =	dma.local [hbm:s3], $0xF7A  }
0x26: {  	[smem:$0x3F9F] =	sst s1;
	(tag) =	ssettag s2;
	_ =	strace s9  }
0x27: {  	s1 =	sld [smem:$0x3FAF]  }
0x28: {  	s2 =	sld [smem:$0x3FB0]  }
0x29: {  	s4 =	sld [smem:$0x3FB2]  }
0x2a: {  	p0 =	seq.s32 s5, $0x0;
	s5 =	sld [smem:$0x3FB3]  }
0x2b: {  	s6 =	sld [smem:$0x3FB4]  }
0x2c: {  	s7 =	sld [smem:$0x3FB5]  }
0x2d: {  	s3 =	simm.s32 $0x108;
	s8 =	sld [smem:$0x3FB6]  }
0x2e: {  	s3 =	simm.s32 @!p0 $0x1082;
	s9 =	sld [smem:$0x3FB7]  }
0x2f: {  	lr =	sadd.s32 s0, s3;
	s0 =	sld [smem:$0x3FAE]  }
0x30: {  	s3 =	sld [smem:$0x3FB1]  }
0x31: {  	[smem:$0x3FBA] =	sst s10  }
0x32: {  	s10 =	sld [smem:$0x3FB8];
	_ =	sdelay $0x3  }
0x33: {  	p0 =	seq.s32 s10, $0x1;
	s10 =	sld [smem:$0x3FBA];
	_ =	sdelay $0x3  }
0x34: {  	[smem:$0x3FBA] =	sst s10  }
0x35: {  	s10 =	sld [smem:$0x3FB9];
	_ =	sdelay $0x3  }
0x36: {  	p1 =	seq.s32 s10, $0x1;
	s10 =	sld [smem:$0x3FBA];
	_ =	sdelay $0x3  }
0x37: {  	[smem:$0x3FBA] =	sst s10  }
0x38: {  	s10 =	sld [smem:$0x3FBB]  }
0x39: {  	_ = 	snop;
	(pc) =	sbr.ind lr, $3  }
0x3a: {  	_ = 	snop  }
0x3b: {  	_ = 	snop  }
0x3c: {  	p2 =	seq.s32 s10, $0x1;
	s10 =	sld [smem:$0x3FBA]  }
0x3d: {  	_ =	shalt  }
0x3e: {  	_ =	shalt  }
0x3f: {  	_ =	shalt  }
0x40: {  	_ =	shalt  }
0x41: {  	_ =	shalt  }
0x42: {  	_ =	shalt  }
0x43: {  	_ =	shalt  }
0x44: {  	_ =	shalt  }
0x45: {  	_ =	shalt  }
0x46: {  	_ =	shalt  }
0x47: {  	_ =	shalt  }
0x48: {  	_ =	shalt  }
0x49: {  	_ =	shalt  }
0x4a: {  	_ =	shalt  }
0x4b: {  	_ =	shalt  }
0x4c: {  	_ =	shalt  }
0x4d: {  	_ =	shalt  }
0x4e: {  	_ =	shalt  }
0x4f: {  	_ =	shalt  }
0x50: {  	_ =	shalt  }
0x51: {  	_ =	shalt  }
0x52: {  	_ =	shalt  }
0x53: {  	_ =	shalt  }
0x54: {  	_ =	shalt  }
0x55: {  	_ =	shalt  }
0x56: {  	_ =	shalt  }
0x57: {  	_ =	shalt  }
0x58: {  	_ =	shalt  }
0x59: {  	_ =	shalt  }
0x5a: {  	_ =	shalt  }
0x5b: {  	_ =	shalt  }
0x5c: {  	_ =	shalt  }
0x5d: {  	_ =	shalt  }
0x5e: {  	_ =	shalt  }
0x5f: {  	_ =	shalt  }
0x60: {  	_ =	shalt  }
0x61: {  	_ =	shalt  }
0x62: {  	_ =	shalt  }
0x63: {  	_ =	shalt  }
0x64: {  	_ =	shalt  }
0x65: {  	_ =	shalt  }
0x66: {  	_ =	shalt  }
0x67: {  	_ =	shalt  }
0x68: {  	_ =	shalt  }
0x69: {  	_ =	shalt  }
0x6a: {  	_ =	shalt  }
0x6b: {  	_ =	shalt  }
0x6c: {  	_ =	shalt  }
0x6d: {  	_ =	shalt  }
0x6e: {  	_ =	shalt  }
0x6f: {  	_ =	shalt  }
0x70: {  	_ =	shalt  }
0x71: {  	_ =	shalt  }
0x72: {  	_ =	shalt  }
0x73: {  	_ =	shalt  }
0x74: {  	_ =	shalt  }
0x75: {  	_ =	shalt  }
0x76: {  	_ =	shalt  }
0x77: {  	_ =	shalt  }
0x78: {  	_ =	shalt  }
0x79: {  	_ =	shalt  }
0x7a: {  	_ =	shalt  }
0x7b: {  	_ =	shalt  }
0x7c: {  	_ =	shalt  }
0x7d: {  	_ =	shalt  }
0x7e: {  	_ =	shalt  }
0x7f: {  	_ =	shalt  }
0x80: {  	_ =	shalt  }
0x81: {  	_ =	shalt  }
0x82: {  	_ =	shalt  }
0x83: {  	_ =	shalt  }
0x84: {  	_ =	shalt  }
0x85: {  	_ =	shalt  }
0x86: {  	_ =	shalt  }
0x87: {  	_ =	shalt  }
.Lfunc_end0:
.L_simem_size_0:
called_computation.3_lowered:
.L_overlay_start_0:
0x88: {  	s2 =	sld [smem:$0x3FD9]  }
0x89: {  	s3 =	sld [smem:$0x3FFE];
	_ =	sdelay $0x1  }
0x8a: {  	s1 =	srdreg.scid  }
0x8b: {  	s0 =	sand.u32 $0x1, s1  }
0x8c: {  	s15 =	sshll.u32 s0, $0xA;
	s2 =	sadd.s32 s3, s2  }
0x8d: {  	s2 =	sadd.s32 s2, s15  }
0x8e: {  	[smem:$0x3FC6] =	sst s2  }
0x8f: {  	_ = 	snop  }
0x90: {  	s16 =	sld [smem:$0x3FD0];
	_ =	sdelay $0x2  }
0x91: {  	s4 =	simm.s32 $0xD;
	s5 =	simm.s32 $0x10;
	s2 =	sld [smem:$0x3FC8]  }
0x92: {  	[smem:s5], [sflag:s4] =	dma.local [hbm:s16], $0x1  }
0x93: {  	_ =	swait.eq [sflag:s4], $0x1  }
0x94: {  	[sflag:s4] =	ssyncset.done $0x0  }
0x95: {  	[sflag:s4] =	ssyncadd.s32 $0xFFFFFFFF  }
0x96: {  	s17 =	sld [smem:$0x10];
	(tm) =	ssettm $0x1  }
0x97: {  	s18 =	sld [smem:$0x3FFB];
	_ =	sdelay $0x3  }
0x98: {  	_ =	strace s18  }
0x99: {  	s3 =	sld [smem:$0x3FFC];
	_ =	sdelay $0x3  }
0x9a: {  	_ =	strace s3  }
0x9b: {  	s3 =	sld [smem:$0x3FFD];
	_ =	sdelay $0x3  }
0x9c: {  	_ =	strace s3  }
0x9d: {  	_ =	strace $0x8FFFFFFF  }
0x9e: {  	s19 =	sld [smem:$0x3FDB];
	_ =	sdelay $0x1  }
0x9f: {  	s20 =	simm.s32 $_scs_section_size  }
0xa0: {  	s6 =	simm.s32 $_size__tile_overlayer_lowered;
	s7 =	simm.s32 $_tile_overlayer_lowered  }
0xa1: {  	s8 =	simm.s32 $0x1BFF;
	s21 =	sshll.u32 s7, $0x1;
	s5 =	sadd.s32 s20, s19  }
0xa2: {  	s22 =	simm.s32 $0x0;
	s6 =	sshll.u32 s6, $0x1;
	s7 =	sadd.s32 s21, s5  }
0xa3: {  	[timem:s22], [sflag:s8] =	dma.local [hbm:s7], s6  }
0xa4: {  	_ =	swait.ge [sflag:s8], s6  }
0xa5: {  	s6 =	ssub.s32 $0x0, s6;
	[sflag:s8] =	ssyncset.done $0x0  }
0xa6: {  	[sflag:s8] =	ssyncadd.s32 s6;
	_ =	sdelay $0x1  }
0xa7: {  	s23 =	simm.s32 $0x1B8B  }
0xa8: {  	_ =	swait.ge [sflag:s23], $0x1  }
0xa9: {  	[sflag:s23] =	ssyncset.done $0x0  }
0xaa: {  	[sflag:s23] =	ssyncadd.s32 $0xFFFFFFFF  }
0xab: {  	s6 =	sld [smem:$0x0]  }
0xac: {  	s7 =	sand.u32 $0xFFFFFFFE, s1  }
0xad: {  	p0 =	sne.s32 s1, s7  }
0xae: {  	s7 =	sshll.u32 @p0 s7, $0xE  }
0xaf: {  	s7 =	sadd.s32 @p0 $0x11B8D, s7;
	s8 =	sshll.u32 @p0 s6, $0x11  }
0xb0: {  	s7 =	sor.u32 @p0 s8, s7  }
0xb1: {  	[sflag:s7] =	ssyncadd.remote.s32 @p0 $0x1;
	_ =	sdelay $0x1  }
0xb2: {  	s7 =	simm.s32 @p0 $0x1B8D  }
0xb3: {  	_ =	swait.eq @p0 [sflag:s7], $0x1  }
0xb4: {  	[sflag:s7] =	ssyncadd.s32 @p0 $0xFFFFFFFF  }
0xb5: {  	s8 =	sshll.u32 @!p0 s1, $0xE  }
0xb6: {  	s8 =	sor.u32 @!p0 $0x4000, s8;
	s7 =	simm.s32 @!p0 $0x1B8D  }
0xb7: {  	s6 =	sshll.u32 @!p0 s6, $0x11;
	s8 =	sadd.s32 @!p0 $0x11B8D, s8;
	_ =	swait.eq @!p0 [sflag:s7], $0x1  }
0xb8: {  	s6 =	sor.u32 @!p0 s6, s8;
	[sflag:s7] =	ssyncadd.s32 @!p0 $0xFFFFFFFF  }
0xb9: {  	s25 =	simm.s32 $0x1B8E;
	s24 =	sld [smem:$0x3FFE];
	[sflag:s6] =	ssyncadd.remote.s32 @!p0 $0x1  }
0xba: {  	s26 =	simm.s32 $execute0_lowered;
	[smem:$0x3FD2] =	sst s25  }
0xbb: {  	s7 =	sshll.u32 s26, $0x1;
	_ =	strace $0x8000004F;
	[dreg:$0x1] =	wrdreg $0xFFFFFFFF  }
0xbc: {  	s28 =	simm.s32 $_size_execute0_lowered;
	s5 =	sadd.s32 s5, s7;
	[dreg:$0x0] =	wrdreg $0x0  }
0xbd: {  	s7 =	sshll.u32 s28, $0x1;
	[dreg:$0x2] =	wrdreg s5  }
0xbe: {  	[dreg:$0x3] =	wrdreg s7  }
0xbf: {  	[dreg:$0x4] =	wrdreg $0xC0  }
0xc0: {  	_ =	task [dreg:s22], $0x5FFFF  }
0xc1: {  	[dreg:$0x1] =	wrdreg $0xFFFFFFFF  }
0xc2: {  	[dreg:$0x0] =	wrdreg $0x60  }
0xc3: {  	[dreg:$0x2] =	wrdreg s24  }
0xc4: {  	[dreg:$0x3] =	wrdreg s2  }
0xc5: {  	[dreg:$0x4] =	wrdreg s17  }
0xc6: {  	[dreg:$0x5] =	wrdreg $0xC  }
0xc7: {  	_ =	task.clear_ibuf [dreg:s22], $0x6FFFF;
	_ =	strace $0x9000004F  }
0xc8: {  	s29 =	simm.s32 $0xC;
	_ =	strace $0x80000051  }
0xc9: {  	_ =	swait.ge [sflag:s29], $0x1  }
0xca: {  	[sflag:s29] =	ssyncadd.s32 $0xFFFFFFFF  }
0xcb: {  	_ =	strace $0x90000051  }
0xcc: {  	_ =	sfence  }
0xcd: {  	s30 =	sld [smem:$0x0];
	_ =	sdelay $0x2  }
0xce: {  	s31 =	sshll.u32 s1, $0xD;
	s1 =	sshrl.u32 s1, $0x2  }
0xcf: {  	s4 =	sand.u32 $0x4000, s31;
	s1 =	sadd.s32 s1, s30  }
0xd0: {  	s0 =	sor.u32 s4, s0;
	s1 =	sshll.u32 s1, $0x11  }
0xd1: {  	s0 =	sor.u32 s1, s0  }
0xd2: {  	s0 =	sadd.s32 $0x8F2B, s0  }
0xd3: {  	[sflag:s0] =	ssyncadd.remote.s32 $0x1  }
0xd4: {  	_ =	sfence.sel $0xFFFF  }
0xd5: {  	[dreg:$0x0] =	wrdreg $0xFFFFFFFF;
	(pc) =	sbr.abs _section_cstart, $3  }
0xd6: {  	[dreg:$0x1] =	wrdreg $0xFFFFFFFF  }
0xd7: {  	_ =	task.clear_ibuf [dreg:s22], $0x2FFFF;
	_ =	strace $0x9FFFFFFF  }
0xd8: {  	(tm) =	ssettm $0x7FFFFFFF  }
0xd9: {  	_ =	shalt  }
tec
execute0_lowered:
.L_overlay_start_1:
0x0: {  	(tag) =	ssettag $0x1  }
0x1: {  	s0 =	rddreg [dreg:$0x0]  }
0x2: {  	s1 =	rddreg [dreg:$0x1]  }
0x3: {  	s4 =	rddreg [dreg:$0x2];
	s2 =	simm.s32 $0x0;
	s3 =	srdreg.scid  }
0x4: {  	s22 =	stileid.u32;
	s12 =	simm.s32 $0x1A00;
	s13 =	simm.s32 $0x2200  }
0x5: {  	s14 =	simm.s32 $0x2A00;
	s15 =	simm.s32 $0x3200;
	s16 =	simm.s32 $0x3A00  }
0x6: {  	s17 =	simm.s32 $0x4200;
	s18 =	simm.s32 $0x4A00;
	s19 =	simm.s32 $0x5200  }
0x7: {  	s20 =	simm.s32 $0x5A00;
	s21 =	simm.s32 $0x6200;
	s28 =	simm.s32 $0x80  }
0x8: {  	s29 =	simm.s32 $0x400;
	s30 =	simm.s32 $0x0;
	[smem:$0x7FF] =	sst s2  }
0x9: {  	s5 =	sand.u32 $0x1, s3;
	s8 =	sshll.u32 s22, $0xF;
	s23 =	sshll.u32 s22, $0x7  }
0xa: {  	s24 =	sshll.u32 s22, $0xB;
	s10 =	sshll.u32 s22, $0x5;
	s22 =	simm.s32 $0x6A00  }
0xb: {  	_ =	strace $0x80000050;
	s6 =	sshll.u32 s5, $0x6;
	s7 =	ssub.s32 $0x2, s5  }
0xc: {  	s11 =	sshll.u32 s5, $0x4;
	s25 =	sand.u32 $0x6000, s24;
	s31 =	sshll.u32 s5, $0xE  }
0xd: {  	s24 =	simm.s32 $0x7A00;
	s6 =	sadd.s32 s6, s0;
	s9 =	sshrl.u32 s7, $0x1  }
0xe: {  	s0 =	sadd.s32 s8, s0;
	s26 =	sor.u32 s11, s10;
	s8 =	sadd.s32 s4, s25  }
0xf: {  	s10 =	simm.s32 $0xA00;
	s11 =	simm.s32 $0x1200;
	s25 =	simm.s32 $0x1  }
0x10: {  	s7 =	ssub.s32 s7, s9;
	s6 =	sadd.s32 s23, s6;
	s9 =	sand.u32 $0x70, s26  }
0x11: {  	v0 =	vimm.s32 $0x0;
	v4 =	vlaneseq.u32;
	s0 =	sadd.s32 s31, s0;
	s23 =	simm.s32 $0x7200;
	s26 =	simm.s32 $0x8200  }
0x12: {  	v1 =	vimm.s32 $0x1;
	vm0 =	vmmov $0xffff;
	v3 =	vshrl.u32 v4, $0x3;
	s4 =	sadd.s32 $0x19BA00, s6;
	s5 =	sadd.s32 s9, s8;
	s6 =	smax.u32 s7, $0x1  }
0x13: {  	v2 =	vand.u32 $0x7, v4;
	v4 =	vor.u32 $0x8, v4;
	v3 =	vmul.u32 $0x8, v3;
	s7 =	sadd.s32 $0x19C200, s0;
	s8 =	simm.s32 $0x2;
	s9 =	simm.s32 $0x200  }
.LBB2_1:
0x14: {  	[tilespmem:s2], [sflag:$0x2] =	stream.linear.gather [hbm4b:s4+s2], $0x200, $0x38;
	[tilespmem:$0xA200] =	vst v63  }
0x15: {  	_ =	swait.ge [sflag:s8], $0x200  }
0x16: {  	[sflag:s8] =	ssyncset.done $0x0  }
0x17: {  	s0 =	simm.s32 $0x0;
	[sflag:s8] =	ssyncadd.s32 $0xFFFFFE00  }
.LBB2_2:
0x18: {  	p0 =	sne.s32 s0, $0x7FC0  }
.Ltmp0:
0x19: {  	_ = 	snop;
	(pc) =	sbr.rel @p0 .LBB2_2-.Ltmp0, $3  }
0x1a: {  	_ =	sdelay $0x1  }
0x1b: {  	s31 =	sshra.s32 s0, $0x2  }
0x1c: {  	s0 =	sadd.s32 $0x40, s0;
	[tilespmem:s31+$0x8200] =	vst v0  }
0x1d: {  	s31 =	simm.s32 $0x0;
	s0 =	simm.s32 $0x40  }
.LBB2_4:
0x1e: {  	v5 =	vld [tilespmem:s0+$0xFFFFFFC0];
	_ =	sdelay $0x4  }
0x1f: {  	v6 =	vshll.u32 v5, $0x1  }
0x20: {  	v5 =	vand.u32 $0x7, v5;
	v6 =	vand.u32 $0xFFFFFFF0, v6  }
0x21: {  	v5 =	vor.u32 v5, v6  }
0x22: {  	v6 =	vperm.xlane v5, v2;
	_ =	sdelay $0x1  }
0x23: {  	v5 =	vperm.xlane v5, v4;
	v6 =	vadd.s32 v3, v6;
	_ =	sdelay $0x1  }
0x24: {  	v5 =	vadd.s32 v3, v5;
	_ =	sdelay $0x2  }
0x25: {  	[tilespmem:s9], [sflag:$0x1] =	stream.indirect_vreg.gather [hbm4b:s1+s2], $0x80, v6, vm0, $0xb8;
	[tilespmem:$0xA200] =	vst v63  }
0x26: {  	_ = 	snop  }
0x27: {  	[tilespmem:s10], [sflag:$0x1] =	stream.indirect_vreg.gather [hbm4b:s1+s2], $0x80, v5, vm0, $0xb8;
	[tilespmem:$0xA200] =	vst v63  }
0x28: {  	v5 =	vld [tilespmem:s0+$0xFFFFFFD0];
	_ =	sdelay $0x4  }
0x29: {  	v6 =	vshll.u32 v5, $0x1  }
0x2a: {  	v5 =	vand.u32 $0x7, v5;
	v6 =	vand.u32 $0xFFFFFFF0, v6  }
0x2b: {  	v5 =	vor.u32 v5, v6  }
0x2c: {  	v6 =	vperm.xlane v5, v2;
	_ =	sdelay $0x1  }
0x2d: {  	v5 =	vperm.xlane v5, v4;
	v6 =	vadd.s32 v3, v6;
	_ =	sdelay $0x1  }
0x2e: {  	v5 =	vadd.s32 v3, v5;
	_ =	sdelay $0x2  }
0x2f: {  	[tilespmem:s11], [sflag:$0x1] =	stream.indirect_vreg.gather [hbm4b:s1+s2], $0x80, v6, vm0, $0xb8;
	[tilespmem:$0xA200] =	vst v63  }
0x30: {  	_ = 	snop  }
0x31: {  	[tilespmem:s12], [sflag:$0x1] =	stream.indirect_vreg.gather [hbm4b:s1+s2], $0x80, v5, vm0, $0xb8;
	[tilespmem:$0xA200] =	vst v63  }
0x32: {  	v5 =	vld [tilespmem:s0+$0xFFFFFFE0];
	_ =	sdelay $0x4  }
0x33: {  	v6 =	vshll.u32 v5, $0x1  }
0x34: {  	v5 =	vand.u32 $0x7, v5;
	v6 =	vand.u32 $0xFFFFFFF0, v6  }
0x35: {  	v5 =	vor.u32 v5, v6  }
0x36: {  	v6 =	vperm.xlane v5, v2;
	_ =	sdelay $0x1  }
0x37: {  	v5 =	vperm.xlane v5, v4;
	v6 =	vadd.s32 v3, v6;
	_ =	sdelay $0x1  }
0x38: {  	v5 =	vadd.s32 v3, v5;
	_ =	sdelay $0x2  }
0x39: {  	[tilespmem:s13], [sflag:$0x1] =	stream.indirect_vreg.gather [hbm4b:s1+s2], $0x80, v6, vm0, $0xb8;
	[tilespmem:$0xA200] =	vst v63  }
0x3a: {  	_ = 	snop  }
0x3b: {  	[tilespmem:s14], [sflag:$0x1] =	stream.indirect_vreg.gather [hbm4b:s1+s2], $0x80, v5, vm0, $0xb8;
	[tilespmem:$0xA200] =	vst v63  }
0x3c: {  	v5 =	vld [tilespmem:s0+$0xFFFFFFF0];
	_ =	sdelay $0x4  }
0x3d: {  	v6 =	vshll.u32 v5, $0x1  }
0x3e: {  	v5 =	vand.u32 $0x7, v5;
	v6 =	vand.u32 $0xFFFFFFF0, v6  }
0x3f: {  	v5 =	vor.u32 v5, v6  }
0x40: {  	v6 =	vperm.xlane v5, v2;
	_ =	sdelay $0x1  }
0x41: {  	v5 =	vperm.xlane v5, v4;
	v6 =	vadd.s32 v3, v6;
	_ =	sdelay $0x1  }
0x42: {  	v5 =	vadd.s32 v3, v5;
	_ =	sdelay $0x2  }
0x43: {  	[tilespmem:s15], [sflag:$0x1] =	stream.indirect_vreg.gather [hbm4b:s1+s2], $0x80, v6, vm0, $0xb8;
	[tilespmem:$0xA200] =	vst v63  }
0x44: {  	_ = 	snop  }
0x45: {  	[tilespmem:s16], [sflag:$0x1] =	stream.indirect_vreg.gather [hbm4b:s1+s2], $0x80, v5, vm0, $0xb8;
	[tilespmem:$0xA200] =	vst v63  }
0x46: {  	v5 =	vld [tilespmem:s0+$0x0];
	_ =	sdelay $0x4  }
0x47: {  	v6 =	vshll.u32 v5, $0x1  }
0x48: {  	v5 =	vand.u32 $0x7, v5;
	v6 =	vand.u32 $0xFFFFFFF0, v6  }
0x49: {  	v5 =	vor.u32 v5, v6  }
0x4a: {  	v6 =	vperm.xlane v5, v2;
	_ =	sdelay $0x1  }
0x4b: {  	v5 =	vperm.xlane v5, v4;
	v6 =	vadd.s32 v3, v6;
	_ =	sdelay $0x1  }
0x4c: {  	v5 =	vadd.s32 v3, v5;
	_ =	sdelay $0x2  }
0x4d: {  	[tilespmem:s17], [sflag:$0x1] =	stream.indirect_vreg.gather [hbm4b:s1+s2], $0x80, v6, vm0, $0xb8;
	[tilespmem:$0xA200] =	vst v63  }
0x4e: {  	_ = 	snop  }
0x4f: {  	[tilespmem:s18], [sflag:$0x1] =	stream.indirect_vreg.gather [hbm4b:s1+s2], $0x80, v5, vm0, $0xb8;
	[tilespmem:$0xA200] =	vst v63  }
0x50: {  	v5 =	vld [tilespmem:s0+$0x10];
	_ =	sdelay $0x4  }
0x51: {  	v6 =	vshll.u32 v5, $0x1  }
0x52: {  	v5 =	vand.u32 $0x7, v5;
	v6 =	vand.u32 $0xFFFFFFF0, v6  }
0x53: {  	v5 =	vor.u32 v5, v6  }
0x54: {  	v6 =	vperm.xlane v5, v2;
	_ =	sdelay $0x1  }
0x55: {  	v5 =	vperm.xlane v5, v4;
	v6 =	vadd.s32 v3, v6;
	_ =	sdelay $0x1  }
0x56: {  	v5 =	vadd.s32 v3, v5;
	_ =	sdelay $0x2  }
0x57: {  	[tilespmem:s19], [sflag:$0x1] =	stream.indirect_vreg.gather [hbm4b:s1+s2], $0x80, v6, vm0, $0xb8;
	[tilespmem:$0xA200] =	vst v63  }
0x58: {  	_ = 	snop  }
0x59: {  	[tilespmem:s20], [sflag:$0x1] =	stream.indirect_vreg.gather [hbm4b:s1+s2], $0x80, v5, vm0, $0xb8;
	[tilespmem:$0xA200] =	vst v63  }
0x5a: {  	v5 =	vld [tilespmem:s0+$0x20];
	_ =	sdelay $0x4  }
0x5b: {  	v6 =	vshll.u32 v5, $0x1  }
0x5c: {  	v5 =	vand.u32 $0x7, v5;
	v6 =	vand.u32 $0xFFFFFFF0, v6  }
0x5d: {  	v5 =	vor.u32 v5, v6  }
0x5e: {  	v6 =	vperm.xlane v5, v2;
	_ =	sdelay $0x1  }
0x5f: {  	v5 =	vperm.xlane v5, v4;
	v6 =	vadd.s32 v3, v6;
	_ =	sdelay $0x1  }
0x60: {  	v5 =	vadd.s32 v3, v5;
	_ =	sdelay $0x2  }
0x61: {  	[tilespmem:s21], [sflag:$0x1] =	stream.indirect_vreg.gather [hbm4b:s1+s2], $0x80, v6, vm0, $0xb8;
	[tilespmem:$0xA200] =	vst v63  }
0x62: {  	_ = 	snop  }
0x63: {  	[tilespmem:s22], [sflag:$0x1] =	stream.indirect_vreg.gather [hbm4b:s1+s2], $0x80, v5, vm0, $0xb8;
	[tilespmem:$0xA200] =	vst v63  }
0x64: {  	v5 =	vld [tilespmem:s0+$0x30];
	_ =	sdelay $0x4  }
0x65: {  	v6 =	vshll.u32 v5, $0x1  }
0x66: {  	v5 =	vand.u32 $0x7, v5;
	v6 =	vand.u32 $0xFFFFFFF0, v6  }
0x67: {  	v5 =	vor.u32 v5, v6  }
0x68: {  	v6 =	vperm.xlane v5, v2;
	_ =	sdelay $0x1  }
0x69: {  	v5 =	vperm.xlane v5, v4;
	v6 =	vadd.s32 v3, v6;
	_ =	sdelay $0x1  }
0x6a: {  	v5 =	vadd.s32 v3, v5;
	_ =	sdelay $0x2  }
0x6b: {  	[tilespmem:s23], [sflag:$0x1] =	stream.indirect_vreg.gather [hbm4b:s1+s2], $0x80, v6, vm0, $0xb8;
	[tilespmem:$0xA200] =	vst v63  }
0x6c: {  	_ = 	snop  }
0x6d: {  	[tilespmem:s24], [sflag:$0x1] =	stream.indirect_vreg.gather [hbm4b:s1+s2], $0x80, v5, vm0, $0xb8;
	[tilespmem:$0xA200] =	vst v63  }
0x6e: {  	_ =	swait.ge [sflag:s25], $0x8000  }
0x6f: {  	[sflag:s25] =	ssyncset.done $0x0  }
0x70: {  	s3 =	sadd.s32 s31, s7;
	[sflag:s25] =	ssyncadd.s32 $0xFFFF8000  }
0x71: {  	[hbm4b:s3+s2] =	stream.linear.scatter [tilespmem:s9], [sflag:$0x2], $0x8000, $0x38;
	[tilespmem:$0xA200] =	vst v63  }
0x72: {  	_ =	swait.ge [sflag:s8], $0x8000  }
0x73: {  	[sflag:s8] =	ssyncset.done $0x0  }
0x74: {  	[sflag:s8] =	ssyncadd.s32 $0xFFFF8000  }
0x75: {  	v5 =	vld [tilespmem:s0+$0xFFFFFFC0];
	_ =	sdelay $0x7  }
0x76: {  	[tilespmem:v5+s26+$0x0] =	vst.idx.add.s32.msk $0xffff, v1  }
0x77: {  	v5 =	vld [tilespmem:s0+$0xFFFFFFD0];
	_ =	sdelay $0x7  }
0x78: {  	[tilespmem:v5+s26+$0x0] =	vst.idx.add.s32.msk $0xffff, v1  }
0x79: {  	v5 =	vld [tilespmem:s0+$0xFFFFFFE0];
	_ =	sdelay $0x7  }
0x7a: {  	[tilespmem:v5+s26+$0x0] =	vst.idx.add.s32.msk $0xffff, v1  }
0x7b: {  	v5 =	vld [tilespmem:s0+$0xFFFFFFF0];
	_ =	sdelay $0x7  }
0x7c: {  	[tilespmem:v5+s26+$0x0] =	vst.idx.add.s32.msk $0xffff, v1  }
0x7d: {  	v5 =	vld [tilespmem:s0+$0x0];
	_ =	sdelay $0x7  }
0x7e: {  	[tilespmem:v5+s26+$0x0] =	vst.idx.add.s32.msk $0xffff, v1  }
0x7f: {  	v5 =	vld [tilespmem:s0+$0x10];
	_ =	sdelay $0x7  }
0x80: {  	[tilespmem:v5+s26+$0x0] =	vst.idx.add.s32.msk $0xffff, v1  }
0x81: {  	v5 =	vld [tilespmem:s0+$0x20];
	_ =	sdelay $0x7  }
0x82: {  	[tilespmem:v5+s26+$0x0] =	vst.idx.add.s32.msk $0xffff, v1  }
0x83: {  	v5 =	vld [tilespmem:s0+$0x30];
	_ =	sdelay $0x2  }
0x84: {  	p0 =	sne.s32 s31, $0x3000  }
.Ltmp1:
0x85: {  	_ = 	snop;
	(pc) =	sbr.rel @p0 .LBB2_4-.Ltmp1, $2  }
0x86: {  	_ =	sdelay $0x2  }
0x87: {  	s31 =	sadd.s32 $0x1000, s31;
	s0 =	sadd.s32 $0x80, s0;
	[tilespmem:v5+s26+$0x0] =	vst.idx.add.s32.msk $0xffff, v1  }
0x88: {  	s30 =	sadd.s32 $0x1, s30  }
0x89: {  	p0 =	sne.s32 s30, s6  }
.Ltmp2:
0x8a: {  	_ = 	snop;
	(pc) =	sbr.rel @p0 .LBB2_1-.Ltmp2, $4  }
0x8b: {  	[hbm4b:s5+s28] =	stream.strided.scatter [tilespmem:s26], [sflag:$0x2], $0x2000, s29, s28, $0x38;
	[tilespmem:$0xA200] =	vst v63  }
0x8c: {  	_ =	swait.ge [sflag:s8], $0x2000  }
0x8d: {  	[sflag:s8] =	ssyncset.done $0x0  }
0x8e: {  	[sflag:s8] =	ssyncadd.s32 $0xFFFFE000  }
0x8f: {  	_ =	sfence.sel $0x180000  }
0x90: {  	[bflag:$0x0] =	sbarrier.arrive $0xFFFF  }
0x91: {  	_ =	strace $0x90000050  }
0x92: {  	s0 =	stileid.u32;
	[bflag:$0x2] =	sbarrier.arrive $0xFFFF  }
0x93: {  	p0 =	sne.s32 s0, $0x0;
	s0 =	rddreg [dreg:$0x3]  }
0x94: {  	s0 =	sadd.s32 @!p0 $0x100000, s0  }
0x95: {  	[sflag:s0] =	ssyncadd.tile.s32 @!p0 $0x1;
	_ =	shalt  }
.Lfunc_end2:
_tile_overlayer_lowered:
.L_overlay_start_2:
0x96: {  	(tag) =	ssettag $0x2  }
0x97: {  	s0 =	rddreg [dreg:$0x0];
	s2 =	stileid.u32  }
0x98: {  	s1 =	rddreg [dreg:$0x1];
	p0 =	sne.s32 s2, $0x0  }
0x99: {  	s3 =	rddreg [dreg:$0x2];
	[bflag:$0x3] =	sbarrier.arrive $0xFFFF;
	s2 =	simm.s32 @!p0 $0x1C02  }
0x9a: {  	[timem:s3], [sflag:s2] =	dma.local @!p0 [hbm:s0], s1  }
0x9b: {  	s0 =	simm.s32 @!p0 $0x2  }
0x9c: {  	_ =	swait.ge @!p0 [sflag:s0], s1  }
0x9d: {  	s1 =	ssub.s32 @!p0 $0x0, s1;
	[sflag:s0] =	ssyncset.done @!p0 $0x0  }
0x9e: {  	[sflag:s0] =	ssyncadd.s32 @!p0 s1  }
0x9f: {  	[bflag:$0x3] =	sbarrier.arrive $0xFFFF  }
0xa0: {  	_ =	shalt  }

</sc_bundles>
